<compile_context>
chip_gen: v7x
topology: tpu7x:2x2x1
jax: 0.10.2.dev20260603
libtpu: 0.0.44.dev20260713+nightly
codegen_flags: <defaults>
</compile_context>

<pallas_src>
import functools

import jax
import jax.numpy as jnp
from jax import lax
from jax.experimental import pallas as pl
from jax.experimental.pallas import tpu as pltpu
from jax.experimental.pallas import tpu_sc as plsc

_LANES = 16


@functools.partial(jax.jit, static_argnums=(4,))
def _regulate(ds_alf, beat_syb, syllable_num, syllable_lengths, T):
    B, S, P = ds_alf.shape
    NC = 1
    mesh = plsc.VectorSubcoreMesh(core_axis_name="c", subcore_axis_name="s",
                                  num_cores=NC)

    @functools.partial(
        pl.kernel,
        out_type=jax.ShapeDtypeStruct((B, T), jnp.float32),
        mesh=mesh,
        compiler_params=pltpu.CompilerParams(needs_layout_passes=False),
        scratch_types=[
            pltpu.VMEM((S, P), jnp.float32),
            pltpu.VMEM((S,), jnp.float32),
            pltpu.VMEM((S,), jnp.int32),
            pltpu.VMEM((_LANES,), jnp.int32),
            pltpu.VMEM((T,), jnp.float32),
            pltpu.SemaphoreType.DMA,
            pltpu.SemaphoreType.DMA,
            pltpu.SemaphoreType.DMA,
            pltpu.SemaphoreType.DMA,
        ],
    )
    def body(alf_hbm, bs_hbm, num_hbm, len_hbm, out_hbm,
             alf_v, bs_v, num_v, len_v, out_v,
             sem_alf, sem_bs, sem_num, sem_len):
        wid = lax.axis_index("s") * NC + lax.axis_index("c")

        def _worker():
            b = wid
            c_bs = pltpu.async_copy(bs_hbm.at[b], bs_v, sem_bs)
            c_num = pltpu.async_copy(num_hbm.at[b], num_v, sem_num)
            c_len = pltpu.async_copy(len_hbm, len_v, sem_len)
            c_num.wait()
            c_len.wait()

            iota = lax.iota(jnp.int32, _LANES)
            len_b = jnp.sum(jnp.where(iota == b, len_v[...], 0))

            def pre(s0, acc):
                for u in range(4):
                    acc = acc & (num_v[pl.ds(s0 + u * _LANES, _LANES)] == 1)
                return acc

            unit = plsc.parallel_loop(
                0, S, 4 * _LANES, carry=jnp.full((_LANES,), True))(pre)
            all_unit = plsc.all_reduce_population_count(unit)[0] == _LANES

            def fast(carry):
                c_bs.wait()

                @plsc.parallel_loop(0, S, _LANES, unroll=4)
                def _copy(s0):
                    bs = bs_v[pl.ds(s0, _LANES)]
                    keep = (s0 + iota) < len_b
                    out_v[pl.ds(s0, _LANES)] = jnp.where(keep, bs, 0.0)

                if T > S:
                    @plsc.parallel_loop(S, T, _LANES)
                    def _tail(s0):
                        out_v[pl.ds(s0, _LANES)] = jnp.zeros(
                            (_LANES,), jnp.float32)

                return carry

            def general(carry):
                c_alf = pltpu.async_copy(alf_hbm.at[b], alf_v, sem_alf)
                zeros = jnp.zeros((_LANES,), jnp.float32)

                @plsc.parallel_loop(0, T, 4 * _LANES)
                def _zero(s0):
                    for u in range(4):
                        out_v[pl.ds(s0 + u * _LANES, _LANES)] = zeros

                c_bs.wait()
                c_alf.wait()
                _chunks(carry)
                return carry

            def chunk_body(s0, base):
                num = num_v[pl.ds(s0, _LANES)]
                bs = bs_v[pl.ds(s0, _LANES)]
                inc = plsc.cumsum(num)
                off = (base + inc) - num
                sv = s0 + iota
                num_eff = jnp.where(sv < len_b, num, 0)

                a = [plsc.load_gather(
                        alf_v, [sv, jnp.full((_LANES,), k, jnp.int32)])
                     for k in range(P)]
                m = [k < num_eff for k in range(P)]

                e = [jnp.where(m[k], jnp.exp(a[k]), 0.0) for k in range(P)]
                ssum = e[0]
                for k in range(1, P):
                    ssum = ssum + e[k]
                scale = bs / ssum

                for k in range(P):
                    plsc.store_scatter(out_v, [off + k], e[k] * scale,
                                       mask=m[k])
                return base + inc[_LANES - 1]

            def _chunks(_):
                plsc.parallel_loop(0, S, _LANES, unroll=2,
                                   carry=jnp.int32(0))(chunk_body)

            if T >= S:
                lax.cond(all_unit, fast, general, 0)
            else:
                general(0)
            pltpu.sync_copy(out_v, out_hbm.at[b])

        if B >= 16 * NC:
            _worker()
        else:
            pl.when(wid < B)(_worker)

    return body(ds_alf, beat_syb, syllable_num, syllable_lengths)


def kernel(syllable, syllable_num, syllable_lengths, beat_syb, ds_alf,
           label_xml, label_xml_lengths):
    T = label_xml.shape[1]
    beat = _regulate(ds_alf, beat_syb, syllable_num, syllable_lengths, T)
    return beat, label_xml_lengths

# --- scband reference (transcript-rebuilt; emitter-appended) ---
"""Pipeline reference for scband-phoneme-length-regulator-15925738734261 (READ-ONLY COPY).

The authoritative reference and input builder live on the scoring server;
editing this copy changes nothing except your own understanding.
"""

import jax, jax.numpy as jnp
import numpy as np


def setup_inputs(seed: int = 0) -> dict:
    key = jax.random.key(seed)
    k1, k2, k3, k4 = jax.random.split(key, 4)
    B, S, P, D, T = 16, 512, 8, 256, 512
    syllable = jax.random.normal(k1, (B, S, D), dtype=jnp.float32)
    # each syllable contains exactly 1 phoneme so that sum(syllable_num[:len]) == label_xml_lengths
    syllable_num = jnp.ones((B, S), dtype=jnp.int32)
    syllable_lengths = jnp.arange(B, dtype=jnp.int32)
    beat_syb = jax.random.uniform(k2, (B, S), dtype=jnp.float32)
    ds_alf = jax.random.normal(k3, (B, S, P), dtype=jnp.float32)
    label_xml = jax.random.randint(k4, (B, T), 0, 100, dtype=jnp.int32)
    label_xml_lengths = jnp.arange(B, dtype=jnp.int32)
    return {
        "syllable": syllable,
        "syllable_num": syllable_num,
        "syllable_lengths": syllable_lengths,
        "beat_syb": beat_syb,
        "ds_alf": ds_alf,
        "label_xml": label_xml,
        "label_xml_lengths": label_xml_lengths,
    }


def reference(syllable, syllable_num, syllable_lengths, beat_syb, ds_alf, label_xml, label_xml_lengths):
    # Faithful translation of PhonemeLengthRegulator.forward (is_inference=False)
    B, S, P = ds_alf.shape
    beat = jnp.zeros(label_xml.shape, dtype=jnp.float32)
    k_idx = jnp.arange(P, dtype=jnp.int32)
    phon_mask = k_idx[None, None, :] < syllable_num[:, :, None]
    logits = jnp.where(phon_mask, ds_alf, -jnp.inf)
    xmax = jnp.max(logits, axis=2, keepdims=True)
    e = jnp.where(phon_mask, jnp.exp(ds_alf - xmax), 0.0)
    percent = e / jnp.sum(e, axis=2, keepdims=True)
    syl_mask = jnp.arange(S, dtype=jnp.int32)[None, :] < syllable_lengths[:, None]
    active = phon_mask & syl_mask[:, :, None]
    offsets = jnp.cumsum(syllable_num, axis=1) - syllable_num
    pos = offsets[:, :, None] + k_idx[None, None, :]
    pos = jnp.where(active, pos, 0)
    vals = jnp.where(active, beat_syb[:, :, None] * percent, 0.0)
    ii = jnp.broadcast_to(jnp.arange(B, dtype=jnp.int32)[:, None, None], pos.shape)
    beat = beat.at[ii, pos].add(vals)
    beat_lengths = label_xml_lengths
    return (beat, beat_lengths)

if __name__ == "__main__":
    import jax
    _d = setup_inputs()
    print(jax.jit(kernel)(*tuple(_d.values())))

</pallas_src>

<mosaic_0001>
#map = affine_map<(d0, d1) -> (0, 0, 0)>
#map1 = affine_map<(d0, d1) -> (0, 0)>
#map2 = affine_map<(d0, d1) -> (0)>
module attributes {stable_mosaic.version = 14 : i64} {
  func.func @body(%arg0: i32, %arg1: i32, %arg2: memref<16x512x8xf32, #tpu.memory_space<hbm>>, %arg3: memref<16x512xf32, #tpu.memory_space<hbm>>, %arg4: memref<16x512xi32, #tpu.memory_space<hbm>>, %arg5: memref<16xi32, #tpu.memory_space<hbm>>, %arg6: memref<16x512xf32, #tpu.memory_space<hbm>>, %arg7: memref<512x8xf32, #tpu.memory_space<vmem>>, %arg8: memref<512xf32, #tpu.memory_space<vmem>>, %arg9: memref<512xi32, #tpu.memory_space<vmem>>, %arg10: memref<16xi32, #tpu.memory_space<vmem>>, %arg11: memref<512xf32, #tpu.memory_space<vmem>>, %arg12: memref<!tpu.dma_semaphore, #tpu.memory_space<semaphore_mem>>, %arg13: memref<!tpu.dma_semaphore, #tpu.memory_space<semaphore_mem>>, %arg14: memref<!tpu.dma_semaphore, #tpu.memory_space<semaphore_mem>>, %arg15: memref<!tpu.dma_semaphore, #tpu.memory_space<semaphore_mem>>) attributes {dimension_semantics = [#tpu.dimension_semantics<core_parallel>, #tpu.dimension_semantics<subcore_parallel>], iteration_bounds = array<i64: 1, 16>, scalar_prefetch = 0 : i64, scratch_operands = 9 : i64, tpu.core_type = #tpu.core_type<sc_vector_subcore>, window_params = [{transform_indices = #map}, {transform_indices = #map1}, {transform_indices = #map1}, {transform_indices = #map2}, {transform_indices = #map1}]} {
    %mul3A = arith.constant 1 : i32
    %mul3A_0 = arith.muli %arg1, %mul3A : i32
    %add3A = arith.addi %mul3A_0, %arg0 : i32
    %dma_start3A = arith.constant 0 : i32
    %dma_start3A_1 = tpu.memref_slice %arg3[%add3A, %dma_start3A] : memref<16x512xf32, #tpu.memory_space<hbm>> -> memref<1x512xf32, #tpu.memory_space<hbm>>
    %dma_start3A_2 = tpu.memref_squeeze %dma_start3A_1 : memref<1x512xf32, #tpu.memory_space<hbm>> -> memref<512xf32, #tpu.memory_space<hbm>>
    %dma_start3A_3 = arith.constant 0 : i32
    %dma_start3A_4 = tpu.memref_slice %arg3[%add3A, %dma_start3A_3] : memref<16x512xf32, #tpu.memory_space<hbm>> -> memref<1x512xf32, #tpu.memory_space<hbm>>
    %dma_start3A_5 = tpu.memref_squeeze %dma_start3A_4 : memref<1x512xf32, #tpu.memory_space<hbm>> -> memref<512xf32, #tpu.memory_space<hbm>>
    tpu.enqueue_dma source(%dma_start3A_5 : memref<512xf32, #tpu.memory_space<hbm>>) target(%arg8 : memref<512xf32, #tpu.memory_space<vmem>>) target_semaphore(%arg13 : memref<!tpu.dma_semaphore, #tpu.memory_space<semaphore_mem>>)
    %dma_start3A_6 = arith.constant 0 : i32
    %dma_start3A_7 = tpu.memref_slice %arg4[%add3A, %dma_start3A_6] : memref<16x512xi32, #tpu.memory_space<hbm>> -> memref<1x512xi32, #tpu.memory_space<hbm>>
    %dma_start3A_8 = tpu.memref_squeeze %dma_start3A_7 : memref<1x512xi32, #tpu.memory_space<hbm>> -> memref<512xi32, #tpu.memory_space<hbm>>
    %dma_start3A_9 = arith.constant 0 : i32
    %dma_start3A_10 = tpu.memref_slice %arg4[%add3A, %dma_start3A_9] : memref<16x512xi32, #tpu.memory_space<hbm>> -> memref<1x512xi32, #tpu.memory_space<hbm>>
    %dma_start3A_11 = tpu.memref_squeeze %dma_start3A_10 : memref<1x512xi32, #tpu.memory_space<hbm>> -> memref<512xi32, #tpu.memory_space<hbm>>
    tpu.enqueue_dma source(%dma_start3A_11 : memref<512xi32, #tpu.memory_space<hbm>>) target(%arg9 : memref<512xi32, #tpu.memory_space<vmem>>) target_semaphore(%arg14 : memref<!tpu.dma_semaphore, #tpu.memory_space<semaphore_mem>>)
    tpu.enqueue_dma source(%arg5 : memref<16xi32, #tpu.memory_space<hbm>>) target(%arg10 : memref<16xi32, #tpu.memory_space<vmem>>) target_semaphore(%arg15 : memref<!tpu.dma_semaphore, #tpu.memory_space<semaphore_mem>>)
    %dma_wait3A = arith.constant 0 : i32
    %dma_wait3A_12 = tpu.memref_slice %arg4[%add3A, %dma_wait3A] : memref<16x512xi32, #tpu.memory_space<hbm>> -> memref<1x512xi32, #tpu.memory_space<hbm>>
    %dma_wait3A_13 = tpu.memref_squeeze %dma_wait3A_12 : memref<1x512xi32, #tpu.memory_space<hbm>> -> memref<512xi32, #tpu.memory_space<hbm>>
    %dma_wait3A_14 = arith.constant 0 : i32
    %dma_wait3A_15 = tpu.memref_slice %arg4[%add3A, %dma_wait3A_14] : memref<16x512xi32, #tpu.memory_space<hbm>> -> memref<1x512xi32, #tpu.memory_space<hbm>>
    %dma_wait3A_16 = tpu.memref_squeeze %dma_wait3A_15 : memref<1x512xi32, #tpu.memory_space<hbm>> -> memref<512xi32, #tpu.memory_space<hbm>>
    tpu.wait_dma2 semaphore(%arg14 : memref<!tpu.dma_semaphore, #tpu.memory_space<semaphore_mem>>) src(%dma_wait3A_16 : memref<512xi32, #tpu.memory_space<hbm>>) dst(%arg9 : memref<512xi32, #tpu.memory_space<vmem>>)
    tpu.wait_dma2 semaphore(%arg15 : memref<!tpu.dma_semaphore, #tpu.memory_space<semaphore_mem>>) src(%arg5 : memref<16xi32, #tpu.memory_space<hbm>>) dst(%arg10 : memref<16xi32, #tpu.memory_space<vmem>>)
    %iota3A = tpu.iota {dimensions = array<i32: 0>} : vector<16xi32>
    %eq3A = vector.broadcast %add3A : i32 to vector<16xi32>
    %eq3A_17 = arith.cmpi eq, %iota3A, %eq3A : vector<16xi32>
    %get3A = arith.constant 0 : index
    %get3A_18 = tpu.vector_load %arg10[%get3A] {strides = array<i32>} : memref<16xi32, #tpu.memory_space<vmem>>, vector<16xi32>,
    %jit3A = arith.constant 0 : i32
    %broadcast_in_dim3A = vector.broadcast %jit3A : i32 to vector<16xi32>
    %select_n3A = arith.select %eq3A_17, %get3A_18, %broadcast_in_dim3A : vector<16xi1>, vector<16xi32>
    %reduce_sum3A = arith.constant true
    %reduce_sum3A_19 = vector.broadcast %reduce_sum3A : i1 to vector<16xi1>
    %reduce_sum3A_20 = tpu.scan <sum>, %select_n3A masked %reduce_sum3A_19 : vector<16xi32>, vector<16xi1> -> vector<16xi32>
    %reduce_sum3A_21 = vector.extract %reduce_sum3A_20[15] : i32 from vector<16xi32>
    %broadcast_in_dim3A_22 = arith.constant true
    %broadcast_in_dim3A_23 = vector.broadcast %broadcast_in_dim3A_22 : i1 to vector<16xi1>
    %parallel_loop3A = arith.constant 0 : i32
    %parallel_loop3A_24 = arith.constant 512 : i32
    %parallel_loop3A_25 = arith.constant 64 : i32
    %parallel_loop3A_26 = scf.for %parallel_loop3A_31 = %parallel_loop3A to %parallel_loop3A_24 step %parallel_loop3A_25 iter_args(%parallel_loop3A_32 = %broadcast_in_dim3A_23) -> (vector<16xi1>)  : i32 {
      %parallel_loop3A_33 = arith.constant 0 : i32
      %parallel_loop3A_34 = arith.addi %parallel_loop3A_31, %parallel_loop3A_33 : i32
      %parallel_loop3A_35 = arith.index_cast %parallel_loop3A_34 : i32 to index
      %parallel_loop3A_36 = tpu.vector_load %arg9[%parallel_loop3A_35] {strides = array<i32>} : memref<512xi32, #tpu.memory_space<vmem>>, vector<16xi32>,
      %parallel_loop3A_37 = arith.constant 1 : i32
      %parallel_loop3A_38 = vector.broadcast %parallel_loop3A_37 : i32 to vector<16xi32>
      %parallel_loop3A_39 = arith.cmpi eq, %parallel_loop3A_36, %parallel_loop3A_38 : vector<16xi32>
      %parallel_loop3A_40 = arith.andi %parallel_loop3A_32, %parallel_loop3A_39 : vector<16xi1>
      %parallel_loop3A_41 = arith.constant 16 : i32
      %parallel_loop3A_42 = arith.addi %parallel_loop3A_31, %parallel_loop3A_41 : i32
      %parallel_loop3A_43 = arith.index_cast %parallel_loop3A_42 : i32 to index
      %parallel_loop3A_44 = tpu.vector_load %arg9[%parallel_loop3A_43] {strides = array<i32>} : memref<512xi32, #tpu.memory_space<vmem>>, vector<16xi32>,
      %parallel_loop3A_45 = arith.constant 1 : i32
      %parallel_loop3A_46 = vector.broadcast %parallel_loop3A_45 : i32 to vector<16xi32>
      %parallel_loop3A_47 = arith.cmpi eq, %parallel_loop3A_44, %parallel_loop3A_46 : vector<16xi32>
      %parallel_loop3A_48 = arith.andi %parallel_loop3A_40, %parallel_loop3A_47 : vector<16xi1>
      %parallel_loop3A_49 = arith.constant 32 : i32
      %parallel_loop3A_50 = arith.addi %parallel_loop3A_31, %parallel_loop3A_49 : i32
      %parallel_loop3A_51 = arith.index_cast %parallel_loop3A_50 : i32 to index
      %parallel_loop3A_52 = tpu.vector_load %arg9[%parallel_loop3A_51] {strides = array<i32>} : memref<512xi32, #tpu.memory_space<vmem>>, vector<16xi32>,
      %parallel_loop3A_53 = arith.constant 1 : i32
      %parallel_loop3A_54 = vector.broadcast %parallel_loop3A_53 : i32 to vector<16xi32>
      %parallel_loop3A_55 = arith.cmpi eq, %parallel_loop3A_52, %parallel_loop3A_54 : vector<16xi32>
      %parallel_loop3A_56 = arith.andi %parallel_loop3A_48, %parallel_loop3A_55 : vector<16xi1>
      %parallel_loop3A_57 = arith.constant 48 : i32
      %parallel_loop3A_58 = arith.addi %parallel_loop3A_31, %parallel_loop3A_57 : i32
      %parallel_loop3A_59 = arith.index_cast %parallel_loop3A_58 : i32 to index
      %parallel_loop3A_60 = tpu.vector_load %arg9[%parallel_loop3A_59] {strides = array<i32>} : memref<512xi32, #tpu.memory_space<vmem>>, vector<16xi32>,
      %parallel_loop3A_61 = arith.constant 1 : i32
      %parallel_loop3A_62 = vector.broadcast %parallel_loop3A_61 : i32 to vector<16xi32>
      %parallel_loop3A_63 = arith.cmpi eq, %parallel_loop3A_60, %parallel_loop3A_62 : vector<16xi32>
      %parallel_loop3A_64 = arith.andi %parallel_loop3A_56, %parallel_loop3A_63 : vector<16xi1>
      scf.yield %parallel_loop3A_64 : vector<16xi1>
    } {sc.loop_unroll_factor = 1 : i64, sc.parallel_access}
    %all_reduce_population_count3A = tpu.all_reduce %parallel_loop3A_26 {dim = 0 : i64, kind = #tpu.reduction_kind<sum>} : vector<16xi1> -> vector<16xi32>
    %slice3A = vector.extract_strided_slice %all_reduce_population_count3A {offsets = [0], sizes = [1], strides = [1]} : vector<16xi32> to vector<1xi32>
    %squeeze3A = vector.extract %slice3A[0] : i32 from vector<1xi32>
    %eq3A_27 = arith.constant 16 : i32
    %eq3A_28 = arith.cmpi eq, %squeeze3A, %eq3A_27 : i32
    %convert_element_type3A = arith.extui %eq3A_28 : i1 to i32
    %cond3A = arith.constant 0 : i32
    %cond3A_29 = arith.constant 0 : i32
    %cond3A_30 = arith.cmpi ne, %convert_element_type3A, %cond3A_29 : i32
    scf.if %cond3A_30 {
      %dma_wait3A_31 = arith.constant 0 : i32
      %dma_wait3A_32 = tpu.memref_slice %arg3[%add3A, %dma_wait3A_31] : memref<16x512xf32, #tpu.memory_space<hbm>> -> memref<1x512xf32, #tpu.memory_space<hbm>>
      %dma_wait3A_33 = tpu.memref_squeeze %dma_wait3A_32 : memref<1x512xf32, #tpu.memory_space<hbm>> -> memref<512xf32, #tpu.memory_space<hbm>>
      %dma_wait3A_34 = arith.constant 0 : i32
      %dma_wait3A_35 = tpu.memref_slice %arg3[%add3A, %dma_wait3A_34] : memref<16x512xf32, #tpu.memory_space<hbm>> -> memref<1x512xf32, #tpu.memory_space<hbm>>
      %dma_wait3A_36 = tpu.memref_squeeze %dma_wait3A_35 : memref<1x512xf32, #tpu.memory_space<hbm>> -> memref<512xf32, #tpu.memory_space<hbm>>
      tpu.wait_dma2 semaphore(%arg13 : memref<!tpu.dma_semaphore, #tpu.memory_space<semaphore_mem>>) src(%dma_wait3A_36 : memref<512xf32, #tpu.memory_space<hbm>>) dst(%arg8 : memref<512xf32, #tpu.memory_space<vmem>>)
      %parallel_loop3A_37 = arith.constant 0 : i32
      %parallel_loop3A_38 = arith.constant 512 : i32
      %parallel_loop3A_39 = arith.constant 16 : i32
      scf.for %parallel_loop3A_40 = %parallel_loop3A_37 to %parallel_loop3A_38 step %parallel_loop3A_39  : i32 {
        %parallel_loop3A_41 = arith.index_cast %parallel_loop3A_40 : i32 to index
        %parallel_loop3A_42 = tpu.vector_load %arg8[%parallel_loop3A_41] {strides = array<i32>} : memref<512xf32, #tpu.memory_space<vmem>>, vector<16xf32>,
        %parallel_loop3A_43 = vector.broadcast %parallel_loop3A_40 : i32 to vector<16xi32>
        %parallel_loop3A_44 = arith.addi %parallel_loop3A_43, %iota3A : vector<16xi32>
        %parallel_loop3A_45 = vector.broadcast %reduce_sum3A_21 : i32 to vector<16xi32>
        %parallel_loop3A_46 = arith.cmpi slt, %parallel_loop3A_44, %parallel_loop3A_45 : vector<16xi32>
        %parallel_loop3A_47 = arith.constant 0.000000e+00 : f32
        %parallel_loop3A_48 = vector.broadcast %parallel_loop3A_47 : f32 to vector<16xf32>
        %parallel_loop3A_49 = arith.select %parallel_loop3A_46, %parallel_loop3A_42, %parallel_loop3A_48 : vector<16xi1>, vector<16xf32>
        %parallel_loop3A_50 = arith.index_cast %parallel_loop3A_40 : i32 to index
        %parallel_loop3A_51 = tpu.vector_load %arg11[%parallel_loop3A_50] {strides = array<i32>} : memref<512xf32, #tpu.memory_space<vmem>>, vector<16xf32>,
        tpu.vector_store %arg11[%parallel_loop3A_50], %parallel_loop3A_49 {strides = array<i32>} : memref<512xf32, #tpu.memory_space<vmem>>, vector<16xf32>,
      } {sc.loop_unroll_factor = 4 : i64, sc.parallel_access}
    } else {
      %dma_start3A_31 = arith.constant 0 : i32
      %dma_start3A_32 = arith.constant 0 : i32
      %dma_start3A_33 = tpu.memref_slice %arg2[%add3A, %dma_start3A_31, %dma_start3A_32] : memref<16x512x8xf32, #tpu.memory_space<hbm>> -> memref<1x512x8xf32, #tpu.memory_space<hbm>>
      %dma_start3A_34 = tpu.memref_squeeze %dma_start3A_33 : memref<1x512x8xf32, #tpu.memory_space<hbm>> -> memref<512x8xf32, #tpu.memory_space<hbm>>
      %dma_start3A_35 = arith.constant 0 : i32
      %dma_start3A_36 = arith.constant 0 : i32
      %dma_start3A_37 = tpu.memref_slice %arg2[%add3A, %dma_start3A_35, %dma_start3A_36] : memref<16x512x8xf32, #tpu.memory_space<hbm>> -> memref<1x512x8xf32, #tpu.memory_space<hbm>>
      %dma_start3A_38 = tpu.memref_squeeze %dma_start3A_37 : memref<1x512x8xf32, #tpu.memory_space<hbm>> -> memref<512x8xf32, #tpu.memory_space<hbm>>
      tpu.enqueue_dma source(%dma_start3A_38 : memref<512x8xf32, #tpu.memory_space<hbm>>) target(%arg7 : memref<512x8xf32, #tpu.memory_space<vmem>>) target_semaphore(%arg12 : memref<!tpu.dma_semaphore, #tpu.memory_space<semaphore_mem>>)
      %broadcast_in_dim3A_39 = arith.constant 0.000000e+00 : f32
      %broadcast_in_dim3A_40 = vector.broadcast %broadcast_in_dim3A_39 : f32 to vector<16xf32>
      %parallel_loop3A_41 = arith.constant 0 : i32
      %parallel_loop3A_42 = arith.constant 512 : i32
      %parallel_loop3A_43 = arith.constant 64 : i32
      scf.for %parallel_loop3A_63 = %parallel_loop3A_41 to %parallel_loop3A_42 step %parallel_loop3A_43  : i32 {
        %parallel_loop3A_64 = arith.constant 0 : i32
        %parallel_loop3A_65 = arith.addi %parallel_loop3A_63, %parallel_loop3A_64 : i32
        %parallel_loop3A_66 = arith.index_cast %parallel_loop3A_65 : i32 to index
        %parallel_loop3A_67 = tpu.vector_load %arg11[%parallel_loop3A_66] {strides = array<i32>} : memref<512xf32, #tpu.memory_space<vmem>>, vector<16xf32>,
        tpu.vector_store %arg11[%parallel_loop3A_66], %broadcast_in_dim3A_40 {strides = array<i32>} : memref<512xf32, #tpu.memory_space<vmem>>, vector<16xf32>,
        %parallel_loop3A_68 = arith.constant 16 : i32
        %parallel_loop3A_69 = arith.addi %parallel_loop3A_63, %parallel_loop3A_68 : i32
        %parallel_loop3A_70 = arith.index_cast %parallel_loop3A_69 : i32 to index
        %parallel_loop3A_71 = tpu.vector_load %arg11[%parallel_loop3A_70] {strides = array<i32>} : memref<512xf32, #tpu.memory_space<vmem>>, vector<16xf32>,
        tpu.vector_store %arg11[%parallel_loop3A_70], %broadcast_in_dim3A_40 {strides = array<i32>} : memref<512xf32, #tpu.memory_space<vmem>>, vector<16xf32>,
        %parallel_loop3A_72 = arith.constant 32 : i32
        %parallel_loop3A_73 = arith.addi %parallel_loop3A_63, %parallel_loop3A_72 : i32
        %parallel_loop3A_74 = arith.index_cast %parallel_loop3A_73 : i32 to index
        %parallel_loop3A_75 = tpu.vector_load %arg11[%parallel_loop3A_74] {strides = array<i32>} : memref<512xf32, #tpu.memory_space<vmem>>, vector<16xf32>,
        tpu.vector_store %arg11[%parallel_loop3A_74], %broadcast_in_dim3A_40 {strides = array<i32>} : memref<512xf32, #tpu.memory_space<vmem>>, vector<16xf32>,
        %parallel_loop3A_76 = arith.constant 48 : i32
        %parallel_loop3A_77 = arith.addi %parallel_loop3A_63, %parallel_loop3A_76 : i32
        %parallel_loop3A_78 = arith.index_cast %parallel_loop3A_77 : i32 to index
        %parallel_loop3A_79 = tpu.vector_load %arg11[%parallel_loop3A_78] {strides = array<i32>} : memref<512xf32, #tpu.memory_space<vmem>>, vector<16xf32>,
        tpu.vector_store %arg11[%parallel_loop3A_78], %broadcast_in_dim3A_40 {strides = array<i32>} : memref<512xf32, #tpu.memory_space<vmem>>, vector<16xf32>,
      } {sc.loop_unroll_factor = 1 : i64, sc.parallel_access}
      %dma_wait3A_44 = arith.constant 0 : i32
      %dma_wait3A_45 = tpu.memref_slice %arg3[%add3A, %dma_wait3A_44] : memref<16x512xf32, #tpu.memory_space<hbm>> -> memref<1x512xf32, #tpu.memory_space<hbm>>
      %dma_wait3A_46 = tpu.memref_squeeze %dma_wait3A_45 : memref<1x512xf32, #tpu.memory_space<hbm>> -> memref<512xf32, #tpu.memory_space<hbm>>
      %dma_wait3A_47 = arith.constant 0 : i32
      %dma_wait3A_48 = tpu.memref_slice %arg3[%add3A, %dma_wait3A_47] : memref<16x512xf32, #tpu.memory_space<hbm>> -> memref<1x512xf32, #tpu.memory_space<hbm>>
      %dma_wait3A_49 = tpu.memref_squeeze %dma_wait3A_48 : memref<1x512xf32, #tpu.memory_space<hbm>> -> memref<512xf32, #tpu.memory_space<hbm>>
      tpu.wait_dma2 semaphore(%arg13 : memref<!tpu.dma_semaphore, #tpu.memory_space<semaphore_mem>>) src(%dma_wait3A_49 : memref<512xf32, #tpu.memory_space<hbm>>) dst(%arg8 : memref<512xf32, #tpu.memory_space<vmem>>)
      %dma_wait3A_50 = arith.constant 0 : i32
      %dma_wait3A_51 = arith.constant 0 : i32
      %dma_wait3A_52 = tpu.memref_slice %arg2[%add3A, %dma_wait3A_50, %dma_wait3A_51] : memref<16x512x8xf32, #tpu.memory_space<hbm>> -> memref<1x512x8xf32, #tpu.memory_space<hbm>>
      %dma_wait3A_53 = tpu.memref_squeeze %dma_wait3A_52 : memref<1x512x8xf32, #tpu.memory_space<hbm>> -> memref<512x8xf32, #tpu.memory_space<hbm>>
      %dma_wait3A_54 = arith.constant 0 : i32
      %dma_wait3A_55 = arith.constant 0 : i32
      %dma_wait3A_56 = tpu.memref_slice %arg2[%add3A, %dma_wait3A_54, %dma_wait3A_55] : memref<16x512x8xf32, #tpu.memory_space<hbm>> -> memref<1x512x8xf32, #tpu.memory_space<hbm>>
      %dma_wait3A_57 = tpu.memref_squeeze %dma_wait3A_56 : memref<1x512x8xf32, #tpu.memory_space<hbm>> -> memref<512x8xf32, #tpu.memory_space<hbm>>
      tpu.wait_dma2 semaphore(%arg12 : memref<!tpu.dma_semaphore, #tpu.memory_space<semaphore_mem>>) src(%dma_wait3A_57 : memref<512x8xf32, #tpu.memory_space<hbm>>) dst(%arg7 : memref<512x8xf32, #tpu.memory_space<vmem>>)
      %parallel_loop3A_58 = arith.constant 0 : i32
      %parallel_loop3A_59 = arith.constant 512 : i32
      %parallel_loop3A_60 = arith.constant 16 : i32
      %parallel_loop3A_61 = arith.constant 0 : i32
      %parallel_loop3A_62 = scf.for %parallel_loop3A_63 = %parallel_loop3A_58 to %parallel_loop3A_59 step %parallel_loop3A_60 iter_args(%parallel_loop3A_64 = %parallel_loop3A_61) -> (i32)  : i32 {
        %parallel_loop3A_65 = arith.index_cast %parallel_loop3A_63 : i32 to index
        %parallel_loop3A_66 = tpu.vector_load %arg9[%parallel_loop3A_65] {strides = array<i32>} : memref<512xi32, #tpu.memory_space<vmem>>, vector<16xi32>,
        %parallel_loop3A_67 = arith.index_cast %parallel_loop3A_63 : i32 to index
        %parallel_loop3A_68 = tpu.vector_load %arg8[%parallel_loop3A_67] {strides = array<i32>} : memref<512xf32, #tpu.memory_space<vmem>>, vector<16xf32>,
        %parallel_loop3A_69 = arith.constant true
        %parallel_loop3A_70 = vector.broadcast %parallel_loop3A_69 : i1 to vector<16xi1>
        %parallel_loop3A_71 = tpu.scan <sum>, %parallel_loop3A_66 masked %parallel_loop3A_70 : vector<16xi32>, vector<16xi1> -> vector<16xi32>
        %parallel_loop3A_72 = vector.broadcast %parallel_loop3A_64 : i32 to vector<16xi32>
        %parallel_loop3A_73 = arith.addi %parallel_loop3A_72, %parallel_loop3A_71 : vector<16xi32>
        %parallel_loop3A_74 = arith.subi %parallel_loop3A_73, %parallel_loop3A_66 : vector<16xi32>
        %parallel_loop3A_75 = vector.broadcast %parallel_loop3A_63 : i32 to vector<16xi32>
        %parallel_loop3A_76 = arith.addi %parallel_loop3A_75, %iota3A : vector<16xi32>
        %parallel_loop3A_77 = vector.broadcast %reduce_sum3A_21 : i32 to vector<16xi32>
        %parallel_loop3A_78 = arith.cmpi slt, %parallel_loop3A_76, %parallel_loop3A_77 : vector<16xi32>
        %parallel_loop3A_79 = arith.constant 0 : i32
        %parallel_loop3A_80 = vector.broadcast %parallel_loop3A_79 : i32 to vector<16xi32>
        %parallel_loop3A_81 = arith.select %parallel_loop3A_78, %parallel_loop3A_66, %parallel_loop3A_80 : vector<16xi1>, vector<16xi32>
        %parallel_loop3A_82 = arith.constant 0 : i32
        %parallel_loop3A_83 = vector.broadcast %parallel_loop3A_82 : i32 to vector<16xi32>
        %parallel_loop3A_84 = tpu.vector_load_idx %arg7[%parallel_loop3A_76, %parallel_loop3A_83] : memref<512x8xf32, #tpu.memory_space<vmem>>[vector<16xi32>, vector<16xi32>], vector<16xf32>,
        %parallel_loop3A_85 = arith.constant 1 : i32
        %parallel_loop3A_86 = vector.broadcast %parallel_loop3A_85 : i32 to vector<16xi32>
        %parallel_loop3A_87 = tpu.vector_load_idx %arg7[%parallel_loop3A_76, %parallel_loop3A_86] : memref<512x8xf32, #tpu.memory_space<vmem>>[vector<16xi32>, vector<16xi32>], vector<16xf32>,
        %parallel_loop3A_88 = arith.constant 2 : i32
        %parallel_loop3A_89 = vector.broadcast %parallel_loop3A_88 : i32 to vector<16xi32>
        %parallel_loop3A_90 = tpu.vector_load_idx %arg7[%parallel_loop3A_76, %parallel_loop3A_89] : memref<512x8xf32, #tpu.memory_space<vmem>>[vector<16xi32>, vector<16xi32>], vector<16xf32>,
        %parallel_loop3A_91 = arith.constant 3 : i32
        %parallel_loop3A_92 = vector.broadcast %parallel_loop3A_91 : i32 to vector<16xi32>
        %parallel_loop3A_93 = tpu.vector_load_idx %arg7[%parallel_loop3A_76, %parallel_loop3A_92] : memref<512x8xf32, #tpu.memory_space<vmem>>[vector<16xi32>, vector<16xi32>], vector<16xf32>,
        %parallel_loop3A_94 = arith.constant 4 : i32
        %parallel_loop3A_95 = vector.broadcast %parallel_loop3A_94 : i32 to vector<16xi32>
        %parallel_loop3A_96 = tpu.vector_load_idx %arg7[%parallel_loop3A_76, %parallel_loop3A_95] : memref<512x8xf32, #tpu.memory_space<vmem>>[vector<16xi32>, vector<16xi32>], vector<16xf32>,
        %parallel_loop3A_97 = arith.constant 5 : i32
        %parallel_loop3A_98 = vector.broadcast %parallel_loop3A_97 : i32 to vector<16xi32>
        %parallel_loop3A_99 = tpu.vector_load_idx %arg7[%parallel_loop3A_76, %parallel_loop3A_98] : memref<512x8xf32, #tpu.memory_space<vmem>>[vector<16xi32>, vector<16xi32>], vector<16xf32>,
        %parallel_loop3A_100 = arith.constant 6 : i32
        %parallel_loop3A_101 = vector.broadcast %parallel_loop3A_100 : i32 to vector<16xi32>
        %parallel_loop3A_102 = tpu.vector_load_idx %arg7[%parallel_loop3A_76, %parallel_loop3A_101] : memref<512x8xf32, #tpu.memory_space<vmem>>[vector<16xi32>, vector<16xi32>], vector<16xf32>,
        %parallel_loop3A_103 = arith.constant 7 : i32
        %parallel_loop3A_104 = vector.broadcast %parallel_loop3A_103 : i32 to vector<16xi32>
        %parallel_loop3A_105 = tpu.vector_load_idx %arg7[%parallel_loop3A_76, %parallel_loop3A_104] : memref<512x8xf32, #tpu.memory_space<vmem>>[vector<16xi32>, vector<16xi32>], vector<16xf32>,
        %parallel_loop3A_106 = arith.constant 0 : i32
        %parallel_loop3A_107 = vector.broadcast %parallel_loop3A_106 : i32 to vector<16xi32>
        %parallel_loop3A_108 = arith.cmpi sgt, %parallel_loop3A_81, %parallel_loop3A_107 : vector<16xi32>
        %parallel_loop3A_109 = arith.constant 1 : i32
        %parallel_loop3A_110 = vector.broadcast %parallel_loop3A_109 : i32 to vector<16xi32>
        %parallel_loop3A_111 = arith.cmpi sgt, %parallel_loop3A_81, %parallel_loop3A_110 : vector<16xi32>
        %parallel_loop3A_112 = arith.constant 2 : i32
        %parallel_loop3A_113 = vector.broadcast %parallel_loop3A_112 : i32 to vector<16xi32>
        %parallel_loop3A_114 = arith.cmpi sgt, %parallel_loop3A_81, %parallel_loop3A_113 : vector<16xi32>
        %parallel_loop3A_115 = arith.constant 3 : i32
        %parallel_loop3A_116 = vector.broadcast %parallel_loop3A_115 : i32 to vector<16xi32>
        %parallel_loop3A_117 = arith.cmpi sgt, %parallel_loop3A_81, %parallel_loop3A_116 : vector<16xi32>
        %parallel_loop3A_118 = arith.constant 4 : i32
        %parallel_loop3A_119 = vector.broadcast %parallel_loop3A_118 : i32 to vector<16xi32>
        %parallel_loop3A_120 = arith.cmpi sgt, %parallel_loop3A_81, %parallel_loop3A_119 : vector<16xi32>
        %parallel_loop3A_121 = arith.constant 5 : i32
        %parallel_loop3A_122 = vector.broadcast %parallel_loop3A_121 : i32 to vector<16xi32>
        %parallel_loop3A_123 = arith.cmpi sgt, %parallel_loop3A_81, %parallel_loop3A_122 : vector<16xi32>
        %parallel_loop3A_124 = arith.constant 6 : i32
        %parallel_loop3A_125 = vector.broadcast %parallel_loop3A_124 : i32 to vector<16xi32>
        %parallel_loop3A_126 = arith.cmpi sgt, %parallel_loop3A_81, %parallel_loop3A_125 : vector<16xi32>
        %parallel_loop3A_127 = arith.constant 7 : i32
        %parallel_loop3A_128 = vector.broadcast %parallel_loop3A_127 : i32 to vector<16xi32>
        %parallel_loop3A_129 = arith.cmpi sgt, %parallel_loop3A_81, %parallel_loop3A_128 : vector<16xi32>
        %parallel_loop3A_130 = math.exp %parallel_loop3A_84 : vector<16xf32>
        %parallel_loop3A_131 = arith.constant 0.000000e+00 : f32
        %parallel_loop3A_132 = vector.broadcast %parallel_loop3A_131 : f32 to vector<16xf32>
        %parallel_loop3A_133 = arith.select %parallel_loop3A_108, %parallel_loop3A_130, %parallel_loop3A_132 : vector<16xi1>, vector<16xf32>
        %parallel_loop3A_134 = math.exp %parallel_loop3A_87 : vector<16xf32>
        %parallel_loop3A_135 = arith.constant 0.000000e+00 : f32
        %parallel_loop3A_136 = vector.broadcast %parallel_loop3A_135 : f32 to vector<16xf32>
        %parallel_loop3A_137 = arith.select %parallel_loop3A_111, %parallel_loop3A_134, %parallel_loop3A_136 : vector<16xi1>, vector<16xf32>
        %parallel_loop3A_138 = math.exp %parallel_loop3A_90 : vector<16xf32>
        %parallel_loop3A_139 = arith.constant 0.000000e+00 : f32
        %parallel_loop3A_140 = vector.broadcast %parallel_loop3A_139 : f32 to vector<16xf32>
        %parallel_loop3A_141 = arith.select %parallel_loop3A_114, %parallel_loop3A_138, %parallel_loop3A_140 : vector<16xi1>, vector<16xf32>
        %parallel_loop3A_142 = math.exp %parallel_loop3A_93 : vector<16xf32>
        %parallel_loop3A_143 = arith.constant 0.000000e+00 : f32
        %parallel_loop3A_144 = vector.broadcast %parallel_loop3A_143 : f32 to vector<16xf32>
        %parallel_loop3A_145 = arith.select %parallel_loop3A_117, %parallel_loop3A_142, %parallel_loop3A_144 : vector<16xi1>, vector<16xf32>
        %parallel_loop3A_146 = math.exp %parallel_loop3A_96 : vector<16xf32>
        %parallel_loop3A_147 = arith.constant 0.000000e+00 : f32
        %parallel_loop3A_148 = vector.broadcast %parallel_loop3A_147 : f32 to vector<16xf32>
        %parallel_loop3A_149 = arith.select %parallel_loop3A_120, %parallel_loop3A_146, %parallel_loop3A_148 : vector<16xi1>, vector<16xf32>
        %parallel_loop3A_150 = math.exp %parallel_loop3A_99 : vector<16xf32>
        %parallel_loop3A_151 = arith.constant 0.000000e+00 : f32
        %parallel_loop3A_152 = vector.broadcast %parallel_loop3A_151 : f32 to vector<16xf32>
        %parallel_loop3A_153 = arith.select %parallel_loop3A_123, %parallel_loop3A_150, %parallel_loop3A_152 : vector<16xi1>, vector<16xf32>
        %parallel_loop3A_154 = math.exp %parallel_loop3A_102 : vector<16xf32>
        %parallel_loop3A_155 = arith.constant 0.000000e+00 : f32
        %parallel_loop3A_156 = vector.broadcast %parallel_loop3A_155 : f32 to vector<16xf32>
        %parallel_loop3A_157 = arith.select %parallel_loop3A_126, %parallel_loop3A_154, %parallel_loop3A_156 : vector<16xi1>, vector<16xf32>
        %parallel_loop3A_158 = math.exp %parallel_loop3A_105 : vector<16xf32>
        %parallel_loop3A_159 = arith.constant 0.000000e+00 : f32
        %parallel_loop3A_160 = vector.broadcast %parallel_loop3A_159 : f32 to vector<16xf32>
        %parallel_loop3A_161 = arith.select %parallel_loop3A_129, %parallel_loop3A_158, %parallel_loop3A_160 : vector<16xi1>, vector<16xf32>
        %parallel_loop3A_162 = arith.addf %parallel_loop3A_133, %parallel_loop3A_137 : vector<16xf32>
        %parallel_loop3A_163 = arith.addf %parallel_loop3A_162, %parallel_loop3A_141 : vector<16xf32>
        %parallel_loop3A_164 = arith.addf %parallel_loop3A_163, %parallel_loop3A_145 : vector<16xf32>
        %parallel_loop3A_165 = arith.addf %parallel_loop3A_164, %parallel_loop3A_149 : vector<16xf32>
        %parallel_loop3A_166 = arith.addf %parallel_loop3A_165, %parallel_loop3A_153 : vector<16xf32>
        %parallel_loop3A_167 = arith.addf %parallel_loop3A_166, %parallel_loop3A_157 : vector<16xf32>
        %parallel_loop3A_168 = arith.addf %parallel_loop3A_167, %parallel_loop3A_161 : vector<16xf32>
        %parallel_loop3A_169 = arith.divf %parallel_loop3A_68, %parallel_loop3A_168 : vector<16xf32>
        %parallel_loop3A_170 = arith.constant 0 : i32
        %parallel_loop3A_171 = vector.broadcast %parallel_loop3A_170 : i32 to vector<16xi32>
        %parallel_loop3A_172 = arith.addi %parallel_loop3A_74, %parallel_loop3A_171 : vector<16xi32>
        %parallel_loop3A_173 = arith.mulf %parallel_loop3A_133, %parallel_loop3A_169 : vector<16xf32>
        tpu.vector_store_idx %arg11[%parallel_loop3A_172], %parallel_loop3A_173 masked %parallel_loop3A_108 : memref<512xf32, #tpu.memory_space<vmem>>[vector<16xi32>], vector<16xf32>, vector<16xi1>
        %parallel_loop3A_174 = arith.constant 1 : i32
        %parallel_loop3A_175 = vector.broadcast %parallel_loop3A_174 : i32 to vector<16xi32>
        %parallel_loop3A_176 = arith.addi %parallel_loop3A_74, %parallel_loop3A_175 : vector<16xi32>
        %parallel_loop3A_177 = arith.mulf %parallel_loop3A_137, %parallel_loop3A_169 : vector<16xf32>
        tpu.vector_store_idx %arg11[%parallel_loop3A_176], %parallel_loop3A_177 masked %parallel_loop3A_111 : memref<512xf32, #tpu.memory_space<vmem>>[vector<16xi32>], vector<16xf32>, vector<16xi1>
        %parallel_loop3A_178 = arith.constant 2 : i32
        %parallel_loop3A_179 = vector.broadcast %parallel_loop3A_178 : i32 to vector<16xi32>
        %parallel_loop3A_180 = arith.addi %parallel_loop3A_74, %parallel_loop3A_179 : vector<16xi32>
        %parallel_loop3A_181 = arith.mulf %parallel_loop3A_141, %parallel_loop3A_169 : vector<16xf32>
        tpu.vector_store_idx %arg11[%parallel_loop3A_180], %parallel_loop3A_181 masked %parallel_loop3A_114 : memref<512xf32, #tpu.memory_space<vmem>>[vector<16xi32>], vector<16xf32>, vector<16xi1>
        %parallel_loop3A_182 = arith.constant 3 : i32
        %parallel_loop3A_183 = vector.broadcast %parallel_loop3A_182 : i32 to vector<16xi32>
        %parallel_loop3A_184 = arith.addi %parallel_loop3A_74, %parallel_loop3A_183 : vector<16xi32>
        %parallel_loop3A_185 = arith.mulf %parallel_loop3A_145, %parallel_loop3A_169 : vector<16xf32>
        tpu.vector_store_idx %arg11[%parallel_loop3A_184], %parallel_loop3A_185 masked %parallel_loop3A_117 : memref<512xf32, #tpu.memory_space<vmem>>[vector<16xi32>], vector<16xf32>, vector<16xi1>
        %parallel_loop3A_186 = arith.constant 4 : i32
        %parallel_loop3A_187 = vector.broadcast %parallel_loop3A_186 : i32 to vector<16xi32>
        %parallel_loop3A_188 = arith.addi %parallel_loop3A_74, %parallel_loop3A_187 : vector<16xi32>
        %parallel_loop3A_189 = arith.mulf %parallel_loop3A_149, %parallel_loop3A_169 : vector<16xf32>
        tpu.vector_store_idx %arg11[%parallel_loop3A_188], %parallel_loop3A_189 masked %parallel_loop3A_120 : memref<512xf32, #tpu.memory_space<vmem>>[vector<16xi32>], vector<16xf32>, vector<16xi1>
        %parallel_loop3A_190 = arith.constant 5 : i32
        %parallel_loop3A_191 = vector.broadcast %parallel_loop3A_190 : i32 to vector<16xi32>
        %parallel_loop3A_192 = arith.addi %parallel_loop3A_74, %parallel_loop3A_191 : vector<16xi32>
        %parallel_loop3A_193 = arith.mulf %parallel_loop3A_153, %parallel_loop3A_169 : vector<16xf32>
        tpu.vector_store_idx %arg11[%parallel_loop3A_192], %parallel_loop3A_193 masked %parallel_loop3A_123 : memref<512xf32, #tpu.memory_space<vmem>>[vector<16xi32>], vector<16xf32>, vector<16xi1>
        %parallel_loop3A_194 = arith.constant 6 : i32
        %parallel_loop3A_195 = vector.broadcast %parallel_loop3A_194 : i32 to vector<16xi32>
        %parallel_loop3A_196 = arith.addi %parallel_loop3A_74, %parallel_loop3A_195 : vector<16xi32>
        %parallel_loop3A_197 = arith.mulf %parallel_loop3A_157, %parallel_loop3A_169 : vector<16xf32>
        tpu.vector_store_idx %arg11[%parallel_loop3A_196], %parallel_loop3A_197 masked %parallel_loop3A_126 : memref<512xf32, #tpu.memory_space<vmem>>[vector<16xi32>], vector<16xf32>, vector<16xi1>
        %parallel_loop3A_198 = arith.constant 7 : i32
        %parallel_loop3A_199 = vector.broadcast %parallel_loop3A_198 : i32 to vector<16xi32>
        %parallel_loop3A_200 = arith.addi %parallel_loop3A_74, %parallel_loop3A_199 : vector<16xi32>
        %parallel_loop3A_201 = arith.mulf %parallel_loop3A_161, %parallel_loop3A_169 : vector<16xf32>
        tpu.vector_store_idx %arg11[%parallel_loop3A_200], %parallel_loop3A_201 masked %parallel_loop3A_129 : memref<512xf32, #tpu.memory_space<vmem>>[vector<16xi32>], vector<16xf32>, vector<16xi1>
        %parallel_loop3A_202 = vector.extract_strided_slice %parallel_loop3A_71 {offsets = [15], sizes = [1], strides = [1]} : vector<16xi32> to vector<1xi32>
        %parallel_loop3A_203 = vector.extract %parallel_loop3A_202[0] : i32 from vector<1xi32>
        %parallel_loop3A_204 = arith.addi %parallel_loop3A_64, %parallel_loop3A_203 : i32
        scf.yield %parallel_loop3A_204 : i32
      } {sc.loop_unroll_factor = 2 : i64, sc.parallel_access}
    }
    "tpu.region"() ({
      %run_scoped3A = tpu.sem_alloc : memref<!tpu.dma_semaphore, #tpu.memory_space<semaphore_mem>>
      %dma_start3A_31 = arith.constant 0 : i32
      %dma_start3A_32 = tpu.memref_slice %arg6[%add3A, %dma_start3A_31] : memref<16x512xf32, #tpu.memory_space<hbm>> -> memref<1x512xf32, #tpu.memory_space<hbm>>
      %dma_start3A_33 = tpu.memref_squeeze %dma_start3A_32 : memref<1x512xf32, #tpu.memory_space<hbm>> -> memref<512xf32, #tpu.memory_space<hbm>>
      %dma_start3A_34 = arith.constant 0 : i32
      %dma_start3A_35 = tpu.memref_slice %arg6[%add3A, %dma_start3A_34] : memref<16x512xf32, #tpu.memory_space<hbm>> -> memref<1x512xf32, #tpu.memory_space<hbm>>
      %dma_start3A_36 = tpu.memref_squeeze %dma_start3A_35 : memref<1x512xf32, #tpu.memory_space<hbm>> -> memref<512xf32, #tpu.memory_space<hbm>>
      tpu.enqueue_dma source(%arg11 : memref<512xf32, #tpu.memory_space<vmem>>) target(%dma_start3A_36 : memref<512xf32, #tpu.memory_space<hbm>>) target_semaphore(%run_scoped3A : memref<!tpu.dma_semaphore, #tpu.memory_space<semaphore_mem>>)
      %dma_wait3A_37 = arith.constant 0 : i32
      %dma_wait3A_38 = tpu.memref_slice %arg6[%add3A, %dma_wait3A_37] : memref<16x512xf32, #tpu.memory_space<hbm>> -> memref<1x512xf32, #tpu.memory_space<hbm>>
      %dma_wait3A_39 = tpu.memref_squeeze %dma_wait3A_38 : memref<1x512xf32, #tpu.memory_space<hbm>> -> memref<512xf32, #tpu.memory_space<hbm>>
      %dma_wait3A_40 = arith.constant 0 : i32
      %dma_wait3A_41 = tpu.memref_slice %arg6[%add3A, %dma_wait3A_40] : memref<16x512xf32, #tpu.memory_space<hbm>> -> memref<1x512xf32, #tpu.memory_space<hbm>>
      %dma_wait3A_42 = tpu.memref_squeeze %dma_wait3A_41 : memref<1x512xf32, #tpu.memory_space<hbm>> -> memref<512xf32, #tpu.memory_space<hbm>>
      tpu.wait_dma2 semaphore(%run_scoped3A : memref<!tpu.dma_semaphore, #tpu.memory_space<semaphore_mem>>) src(%arg11 : memref<512xf32, #tpu.memory_space<vmem>>) dst(%dma_wait3A_42 : memref<512xf32, #tpu.memory_space<hbm>>)
      tpu.yield
    }) : () -> ()
    return
  }
}

</mosaic_0001>

<sc_bundles>
// kernel: _regulate.3.cloned.1.call-start
scs
__scs_entry_jumppad:
0x0: {  	(pc) =	sbr.rel $0x88, $3  }
0x1: {  	(tag) =	ssettag $0x0;
	lr =	simm.s32 $0x1  }
0x2: {  	[smem:$0x3F9D] =	sst lr;
	_ =	strace $0xD0000000  }
0x3: {  	_ = 	snop  }
0x4: {  	_ = 	snop  }
0x5: {  	_ = 	snop  }
0x6: {  	_ = 	snop  }
0x7: {  	_ = 	snop  }
__scs_overlays_trampoline_lowered:
0x8: {  	[smem:$0x3FAC] =	sst s0  }
0x9: {  	[smem:$0x3FAD] =	sst s1  }
0xa: {  	[smem:$0x3FAE] =	sst s2  }
0xb: {  	[smem:$0x3FAF] =	sst s3  }
0xc: {  	[smem:$0x3FB0] =	sst s4  }
0xd: {  	[smem:$0x3FB1] =	sst s5  }
0xe: {  	[smem:$0x3FB2] =	sst s6  }
0xf: {  	[smem:$0x3FB3] =	sst s7  }
0x10: {  	[smem:$0x3FB4] =	sst s8  }
0x11: {  	[smem:$0x3FB5] =	sst s9;
	s0 =	simm.s32 @!p0 $0x0  }
0x12: {  	s1 =	sld [smem:$0x3F9B];
	s0 =	simm.s32 @p0 $0x1  }
0x13: {  	[smem:$0x3FB6] =	sst s0;
	s0 =	simm.s32 @!p1 $0x0  }
0x14: {  	s2 =	sld [smem:$0x3F9A];
	s0 =	simm.s32 @p1 $0x1  }
0x15: {  	[smem:$0x3FB7] =	sst s0;
	s0 =	simm.s32 @!p2 $0x0  }
0x16: {  	s3 =	sld [smem:$0x3FDB];
	s0 =	simm.s32 @p2 $0x1  }
0x17: {  	s4 =	simm.s32 $0x1BF5;
	[smem:$0x3FB9] =	sst s0  }
0x18: {  	s0 =	sld [smem:$0x3F9C];
	_ =	swait.ge [sflag:s4], $0x0  }
0x19: {  	s7 =	sld [smem:$0x3F9D]  }
0x1a: {  	s8 =	sadd.s32 $0xFFFFE003, lr  }
0x1b: {  	s9 =	sadd.s32 $0xFFFFFEF7, lr;
	s5 =	simm.s32 $0xFFFFFFFF;
	p2 =	slt.u32 s8, $0xFFFFF086  }
0x1c: {  	p1 =	slt.u32 s9, $0xF7A;
	s5 =	simm.s32 @!p2 $0x0  }
0x1d: {  	s5 =	simm.s32 @p1 $0x1;
	p0 =	seq.s32 s7, s2  }
0x1e: {  	s7 =	smul.u32 @!p0 $0xF7A, s2;
	p2 =	seq.s32 @!p0 s5, $0x0  }
0x1f: {  	s9 =	smul.u32 $0xF7A, s1;
	s8 =	simm.s32 @!p0 $0x1BF5;
	p2 =	por !p2, p0  }
0x20: {  	[sflag:s8] =	ssyncset.s32 @!p0 $0xFFFFF086;
	s6 =	sadd.s32 @!p0 s3, s7;
	s7 =	simm.s32 @!p0 $0x108  }
0x21: {  	s3 =	sadd.s32 s3, s9;
	s6 =	sadd.s32 @!p0 $0x88, s6;
	s7 =	simm.s32 @p2 $0x1082  }
0x22: {  	[simem:s7], [sflag:s8] =	dma.local @!p0 [hbm:s6], $0xF7A  }
0x23: {  	s9 =	sor.u32 $0xD0000000, s2;
	s6 =	simm.s32 $0x108;
	_ =	swait.ge @!p0 [sflag:s8], $0x0  }
0x24: {  	s3 =	sadd.s32 $0x88, s3;
	s6 =	simm.s32 @!p1 $0x1082;
	[sflag:s4] =	ssyncset.s32 $0xFFFFF086  }
0x25: {  	[simem:s6], [sflag:s4] =	dma.local [hbm:s3], $0xF7A  }
0x26: {  	[smem:$0x3F9D] =	sst s1;
	(tag) =	ssettag s2;
	_ =	strace s9  }
0x27: {  	s1 =	sld [smem:$0x3FAD]  }
0x28: {  	s2 =	sld [smem:$0x3FAE]  }
0x29: {  	s4 =	sld [smem:$0x3FB0]  }
0x2a: {  	p0 =	seq.s32 s5, $0x0;
	s5 =	sld [smem:$0x3FB1]  }
0x2b: {  	s6 =	sld [smem:$0x3FB2]  }
0x2c: {  	s7 =	sld [smem:$0x3FB3]  }
0x2d: {  	s3 =	simm.s32 $0x108;
	s8 =	sld [smem:$0x3FB4]  }
0x2e: {  	s3 =	simm.s32 @!p0 $0x1082;
	s9 =	sld [smem:$0x3FB5]  }
0x2f: {  	lr =	sadd.s32 s0, s3;
	s0 =	sld [smem:$0x3FAC]  }
0x30: {  	s3 =	sld [smem:$0x3FAF]  }
0x31: {  	[smem:$0x3FB8] =	sst s10  }
0x32: {  	s10 =	sld [smem:$0x3FB6];
	_ =	sdelay $0x3  }
0x33: {  	p0 =	seq.s32 s10, $0x1;
	s10 =	sld [smem:$0x3FB8];
	_ =	sdelay $0x3  }
0x34: {  	[smem:$0x3FB8] =	sst s10  }
0x35: {  	s10 =	sld [smem:$0x3FB7];
	_ =	sdelay $0x3  }
0x36: {  	p1 =	seq.s32 s10, $0x1;
	s10 =	sld [smem:$0x3FB8];
	_ =	sdelay $0x3  }
0x37: {  	[smem:$0x3FB8] =	sst s10  }
0x38: {  	s10 =	sld [smem:$0x3FB9]  }
0x39: {  	_ = 	snop;
	(pc) =	sbr.ind lr, $3  }
0x3a: {  	_ = 	snop  }
0x3b: {  	_ = 	snop  }
0x3c: {  	p2 =	seq.s32 s10, $0x1;
	s10 =	sld [smem:$0x3FB8]  }
0x3d: {  	_ =	shalt  }
0x3e: {  	_ =	shalt  }
0x3f: {  	_ =	shalt  }
0x40: {  	_ =	shalt  }
0x41: {  	_ =	shalt  }
0x42: {  	_ =	shalt  }
0x43: {  	_ =	shalt  }
0x44: {  	_ =	shalt  }
0x45: {  	_ =	shalt  }
0x46: {  	_ =	shalt  }
0x47: {  	_ =	shalt  }
0x48: {  	_ =	shalt  }
0x49: {  	_ =	shalt  }
0x4a: {  	_ =	shalt  }
0x4b: {  	_ =	shalt  }
0x4c: {  	_ =	shalt  }
0x4d: {  	_ =	shalt  }
0x4e: {  	_ =	shalt  }
0x4f: {  	_ =	shalt  }
0x50: {  	_ =	shalt  }
0x51: {  	_ =	shalt  }
0x52: {  	_ =	shalt  }
0x53: {  	_ =	shalt  }
0x54: {  	_ =	shalt  }
0x55: {  	_ =	shalt  }
0x56: {  	_ =	shalt  }
0x57: {  	_ =	shalt  }
0x58: {  	_ =	shalt  }
0x59: {  	_ =	shalt  }
0x5a: {  	_ =	shalt  }
0x5b: {  	_ =	shalt  }
0x5c: {  	_ =	shalt  }
0x5d: {  	_ =	shalt  }
0x5e: {  	_ =	shalt  }
0x5f: {  	_ =	shalt  }
0x60: {  	_ =	shalt  }
0x61: {  	_ =	shalt  }
0x62: {  	_ =	shalt  }
0x63: {  	_ =	shalt  }
0x64: {  	_ =	shalt  }
0x65: {  	_ =	shalt  }
0x66: {  	_ =	shalt  }
0x67: {  	_ =	shalt  }
0x68: {  	_ =	shalt  }
0x69: {  	_ =	shalt  }
0x6a: {  	_ =	shalt  }
0x6b: {  	_ =	shalt  }
0x6c: {  	_ =	shalt  }
0x6d: {  	_ =	shalt  }
0x6e: {  	_ =	shalt  }
0x6f: {  	_ =	shalt  }
0x70: {  	_ =	shalt  }
0x71: {  	_ =	shalt  }
0x72: {  	_ =	shalt  }
0x73: {  	_ =	shalt  }
0x74: {  	_ =	shalt  }
0x75: {  	_ =	shalt  }
0x76: {  	_ =	shalt  }
0x77: {  	_ =	shalt  }
0x78: {  	_ =	shalt  }
0x79: {  	_ =	shalt  }
0x7a: {  	_ =	shalt  }
0x7b: {  	_ =	shalt  }
0x7c: {  	_ =	shalt  }
0x7d: {  	_ =	shalt  }
0x7e: {  	_ =	shalt  }
0x7f: {  	_ =	shalt  }
0x80: {  	_ =	shalt  }
0x81: {  	_ =	shalt  }
0x82: {  	_ =	shalt  }
0x83: {  	_ =	shalt  }
0x84: {  	_ =	shalt  }
0x85: {  	_ =	shalt  }
0x86: {  	_ =	shalt  }
0x87: {  	_ =	shalt  }
.Lfunc_end0:
.L_simem_size_0:
called_computation_lowered:
.L_overlay_start_0:
0x88: {  	s0 =	sld [smem:$0x3FD9]  }
0x89: {  	s1 =	sld [smem:$0x3FFE];
	_ =	sdelay $0x3  }
0x8a: {  	s0 =	sadd.s32 s1, s0  }
0x8b: {  	[smem:$0x3FC4] =	sst s0  }
0x8c: {  	_ = 	snop  }
0x8d: {  	s0 =	sld [smem:$0x3FC8]  }
0x8e: {  	s16 =	sld [smem:$0x3FC7]  }
0x8f: {  	s2 =	sld [smem:$0x3FC6]  }
0x90: {  	s3 =	sld [smem:$0x3FD0];
	(tm) =	ssettm $0x1  }
0x91: {  	s4 =	sld [smem:$0x3FFB];
	_ =	sdelay $0x3  }
0x92: {  	_ =	strace s4  }
0x93: {  	s4 =	sld [smem:$0x3FFC];
	_ =	sdelay $0x3  }
0x94: {  	_ =	strace s4  }
0x95: {  	s4 =	sld [smem:$0x3FFD];
	_ =	sdelay $0x3  }
0x96: {  	_ =	strace s4  }
0x97: {  	_ =	strace $0x8FFFFFFF  }
0x98: {  	s17 =	sld [smem:$0x3FDB];
	_ =	sdelay $0x1  }
0x99: {  	s5 =	simm.s32 $_scs_section_size  }
0x9a: {  	s6 =	simm.s32 $_size__tile_overlayer_lowered;
	s7 =	simm.s32 $_tile_overlayer_lowered  }
0x9b: {  	s20 =	simm.s32 $0x1BFF;
	s19 =	sshll.u32 s7, $0x1;
	s4 =	sadd.s32 s5, s17  }
0x9c: {  	s8 =	simm.s32 $0x0;
	s18 =	sshll.u32 s6, $0x1;
	s6 =	sadd.s32 s19, s4  }
0x9d: {  	[timem:s8], [sflag:s20] =	dma.local [hbm:s6], s18  }
0x9e: {  	_ =	swait.ge [sflag:s20], s18  }
0x9f: {  	s5 =	ssub.s32 $0x0, s18;
	[sflag:s20] =	ssyncset.done $0x0  }
0xa0: {  	[sflag:s20] =	ssyncadd.s32 s5;
	_ =	sdelay $0x1  }
0xa1: {  	s21 =	simm.s32 $0x1B8B  }
0xa2: {  	_ =	swait.ge [sflag:s21], $0x1  }
0xa3: {  	[sflag:s21] =	ssyncset.done $0x0  }
0xa4: {  	s23 =	simm.s32 $0x1B8E;
	s22 =	sld [smem:$0x3FFE];
	[sflag:s21] =	ssyncadd.s32 $0xFFFFFFFF  }
0xa5: {  	s24 =	simm.s32 $execute0_lowered;
	[smem:$0x3FD2] =	sst s23  }
0xa6: {  	s6 =	sshll.u32 s24, $0x1;
	_ =	strace $0x80000046;
	[dreg:$0x1] =	wrdreg $0xFFFFFFFF  }
0xa7: {  	s25 =	simm.s32 $_size_execute0_lowered;
	s4 =	sadd.s32 s4, s6;
	[dreg:$0x0] =	wrdreg $0x0  }
0xa8: {  	s6 =	sshll.u32 s25, $0x1;
	[dreg:$0x2] =	wrdreg s4  }
0xa9: {  	[dreg:$0x3] =	wrdreg s6  }
0xaa: {  	[dreg:$0x4] =	wrdreg $0xC0  }
0xab: {  	_ =	task [dreg:s8], $0x5FFFF  }
0xac: {  	[dreg:$0x1] =	wrdreg $0xFFFFFFFF  }
0xad: {  	[dreg:$0x0] =	wrdreg $0x60  }
0xae: {  	[dreg:$0x2] =	wrdreg s22  }
0xaf: {  	[dreg:$0x3] =	wrdreg s0  }
0xb0: {  	[dreg:$0x4] =	wrdreg s16  }
0xb1: {  	[dreg:$0x5] =	wrdreg s2  }
0xb2: {  	[dreg:$0x6] =	wrdreg s3  }
0xb3: {  	[dreg:$0x7] =	wrdreg $0x9  }
0xb4: {  	_ =	task.clear_ibuf [dreg:s8], $0x8FFFF;
	_ =	strace $0x90000046  }
0xb5: {  	s26 =	simm.s32 $0x9;
	_ =	strace $0x80000048  }
0xb6: {  	_ =	swait.ge [sflag:s26], $0x1  }
0xb7: {  	[sflag:s26] =	ssyncadd.s32 $0xFFFFFFFF  }
0xb8: {  	_ =	strace $0x90000048  }
0xb9: {  	_ =	sfence  }
0xba: {  	s28 =	sld [smem:$0x0];
	_ =	sdelay $0x1  }
0xbb: {  	s29 =	srdreg.scid  }
0xbc: {  	s30 =	sshll.u32 s29, $0xD;
	s31 =	sshrl.u32 s29, $0x2  }
0xbd: {  	s1 =	sand.u32 $0x1, s29;
	s2 =	sand.u32 $0x4000, s30;
	s0 =	sadd.s32 s31, s28  }
0xbe: {  	s1 =	sor.u32 s2, s1;
	s0 =	sshll.u32 s0, $0x11  }
0xbf: {  	s0 =	sor.u32 s0, s1  }
0xc0: {  	s0 =	sadd.s32 $0x8F2B, s0  }
0xc1: {  	[sflag:s0] =	ssyncadd.remote.s32 $0x1  }
0xc2: {  	_ =	sfence.sel $0xFFFF  }
0xc3: {  	[dreg:$0x0] =	wrdreg $0xFFFFFFFF;
	(pc) =	sbr.abs _section_cstart, $3  }
0xc4: {  	[dreg:$0x1] =	wrdreg $0xFFFFFFFF  }
0xc5: {  	_ =	task.clear_ibuf [dreg:s8], $0x2FFFF;
	_ =	strace $0x9FFFFFFF  }
0xc6: {  	(tm) =	ssettm $0x7FFFFFFF  }
0xc7: {  	_ =	shalt  }
tec
execute0_lowered:
.L_overlay_start_1:
0x0: {  	(tag) =	ssettag $0x1  }
0x1: {  	s4 =	rddreg [dreg:$0x0]  }
0x2: {  	s5 =	rddreg [dreg:$0x1]  }
0x3: {  	s6 =	rddreg [dreg:$0x2]  }
0x4: {  	s7 =	rddreg [dreg:$0x3]  }
0x5: {  	s2 =	rddreg [dreg:$0x4]  }
0x6: {  	s1 =	stileid.u32;
	s0 =	rddreg [dreg:$0x5]  }
0x7: {  	s9 =	simm.s32 $0x0;
	s3 =	sshll.u32 s1, $0x6;
	s8 =	sshll.u32 s1, $0x4  }
0x8: {  	s24 =	simm.s32 $0x80;
	s3 =	sand.u32 $0x200, s3;
	s8 =	sand.u32 $0x70, s8  }
0x9: {  	s10 =	simm.s32 $0x400;
	[smem:$0x7FF] =	sst s9;
	s3 =	sor.u32 s8, s3  }
0xa: {  	s11 =	simm.s32 $0x10000;
	_ =	strace $0x80000047;
	s5 =	sadd.s32 s5, s3  }
0xb: {  	[tilespmem:s11], [sflag:$0x2] =	stream.strided.gather [hbm4b:s5+s24], $0x200, s10, s24, $0x38;
	[tilespmem:$0x10680] =	vst v63  }
0xc: {  	s26 =	simm.s32 $0x10200;
	s25 =	sadd.s32 s6, s3  }
0xd: {  	[tilespmem:s26], [sflag:$0x3] =	stream.strided.gather [hbm4b:s25+s24], $0x200, s10, s24, $0x38;
	[tilespmem:$0x10680] =	vst v63  }
0xe: {  	s28 =	simm.s32 $0x10400;
	s29 =	simm.s32 $0x3  }
0xf: {  	[tilespmem:s28], [sflag:$0x4] =	stream.linear.gather [hbm4b:s7+s9], $0x80, $0x38;
	[tilespmem:$0x10680] =	vst v63  }
0x10: {  	_ =	swait.ge [sflag:s29], $0x200  }
0x11: {  	[sflag:s29] =	ssyncset.done $0x0  }
0x12: {  	s30 =	simm.s32 $0x4;
	[sflag:s29] =	ssyncadd.s32 $0xFFFFFE00  }
0x13: {  	_ =	swait.ge [sflag:s30], $0x80  }
0x14: {  	[sflag:s30] =	ssyncset.done $0x0  }
0x15: {  	s31 =	simm.s32 $0x10220;
	[sflag:s30] =	ssyncadd.s32 $0xFFFFFF80  }
0x16: {  	v0 =	vld [tilespmem:s31+$0xFFFFFFE0]  }
0x17: {  	v2 =	vld [tilespmem:s31+$0xFFFFFFF0]  }
0x18: {  	v3 =	vld [tilespmem:s31+$0x0]  }
0x19: {  	v4 =	vld [tilespmem:s31+$0x10];
	_ =	sdelay $0x1  }
0x1a: {  	s5 =	simm.s32 $0x10260;
	v1 =	vld [tilespmem:$0x10400]  }
0x1b: {  	vm0 =	veq.s32 v0, $0x1;
	v0 =	vld [tilespmem:s5+$0xFFFFFFE0];
	vm1 =	veq.s32 v2, $0x1  }
0x1c: {  	v2 =	vld [tilespmem:s5+$0xFFFFFFF0];
	vm0 =	vmand vm0, vm1;
	vm1 =	veq.s32 v3, $0x1  }
0x1d: {  	vm2 =	veq.s32 v4, $0x1;
	v4 =	vld [tilespmem:s5+$0x10];
	vm1 =	vmand vm0, vm1  }
0x1e: {  	s4 =	sadd.s32 $0x400, s4;
	s6 =	simm.s32 $0x40;
	v3 =	vld [tilespmem:s5+$0x0];
	vm0 =	vmmov $0xffff;
	vm1 =	vmand vm1, vm2  }
.LBB2_1:
0x1f: {  	s6 =	sadd.s32 $0x40, s6  }
0x20: {  	vm0 =	vmand vm0, vm1;
	p0 =	slt.u32 s6, $0x1C0  }
.Ltmp0:
0x21: {  	s5 =	sadd.s32 $0x40, s5;
	vm1 =	veq.s32 v0, $0x1;
	(pc) =	sbr.rel @p0 .LBB2_1-.Ltmp0, $4  }
0x22: {  	v0 =	vld [tilespmem:s5+$0xFFFFFFE0];
	vm2 =	veq.s32 v2, $0x1  }
0x23: {  	v2 =	vld [tilespmem:s5+$0xFFFFFFF0];
	vm1 =	vmand vm1, vm2;
	vm2 =	veq.s32 v3, $0x1  }
0x24: {  	v3 =	vld [tilespmem:s5+$0x0];
	vm1 =	vmand vm1, vm2;
	vm2 =	veq.s32 v4, $0x1  }
0x25: {  	v4 =	vld [tilespmem:s5+$0x10];
	vm1 =	vmand vm1, vm2  }
0x26: {  	_ =	sdelay $0x1  }
0x27: {  	vm2 =	veq.s32 v0, $0x1;
	vm3 =	veq.s32 v2, $0x1  }
0x28: {  	vm2 =	vmand vm2, vm3;
	vm12 =	veq.s32 v3, $0x1  }
0x29: {  	vm2 =	vmand vm2, vm12;
	vm13 =	veq.s32 v4, $0x1  }
0x2a: {  	vm0 =	vmand vm0, vm1;
	vm14 =	vmand vm2, vm13  }
0x2b: {  	vm0 =	vmand vm0, vm14  }
0x2c: {  	v0 =	vmpcnt.ones.xlane vm0;
	_ =	sdelay $0x1  }
0x2d: {  	(v2sf) =	vpush v0, $0x0;
	_ =	sdelay $0xb  }
0x2e: {  	v2 =	vmov s1;
	v0 =	vlaneseq.u32  }
0x2f: {  	vm15 =	veq.s32 v2, v0  }
0x30: {  	v1 =	vnsel vm15, $0x0, v1  }
0x31: {  	(xrf0) =	vadd.scan.msk.s32 $0xffff, v1;
	s5 =	spop (v2sf)  }
0x32: {  	p0 =	sne.s32 s5, $0x10  }
.Ltmp1:
0x33: {  	_ = 	snop;
	(pc) =	sbr.rel @p0 .LBB2_6-.Ltmp1, $2  }
0x34: {  	_ =	sdelay $0x2  }
0x35: {  	s2 =	sadd.s32 s2, s3;
	v1, _, _ =	vpop (xrf0)  }
0x36: {  	s3 =	simm.s32 $0x2  }
0x37: {  	_ =	swait.ge [sflag:s3], $0x200  }
0x38: {  	[sflag:s3] =	ssyncset.done $0x0  }
0x39: {  	s6 =	simm.s32 $0x10020;
	[sflag:s3] =	ssyncadd.s32 $0xFFFFFE00  }
0x3a: {  	v6 =	vld [tilespmem:s6+$0x10]  }
0x3b: {  	v1 =	vbroadcast v1, $0xF;
	s31 =	simm.s32 $0x30;
	v3 =	vld [tilespmem:s6+$0xFFFFFFF0]  }
0x3c: {  	v4 =	vor.u32 s31, v0;
	v2 =	vld [tilespmem:s6+$0x0]  }
0x3d: {  	s5 =	simm.s32 $0x10;
	vm1 =	vlt.s32 v4, v1;
	v4 =	vld [tilespmem:s6+$0xFFFFFFE0]  }
0x3e: {  	s4 =	simm.s32 $0x0;
	s7 =	simm.s32 $0x20;
	v5 =	vor.u32 s5, v0  }
0x3f: {  	s5 =	simm.s32 $0x40;
	vm0 =	vlt.s32 v5, v1;
	v5 =	vor.u32 s7, v0;
	s3 =	simm.s32 $0x104A0;
	s6 =	simm.s32 $0x10060;
	v6 =	vnsel vm1, $0x0, v6  }
.LBB2_4:
0x40: {  	v7 =	vld [tilespmem:s6+$0x10];
	p0 =	slt.u32 s5, $0x1C0;
	v8 =	vor.u32 s4, v0;
	v9 =	vnsel vm0, $0x0, v3;
	vm0 =	vlt.s32 v5, v1;
	[tilespmem:s3+$0x10] =	vst v6;
	s4 =	smov.u32 s5;
	s5 =	sadd.s32 $0x40, s5  }
.Ltmp2:
0x41: {  	v3 =	vld [tilespmem:s6+$0xFFFFFFF0];
	vm1 =	vlt.s32 v8, v1;
	[tilespmem:s3+$0xFFFFFFF0] =	vst v9;
	v5 =	vnsel vm0, $0x0, v2;
	(pc) =	sbr.rel @p0 .LBB2_4-.Ltmp2, $4  }
0x42: {  	s7 =	sadd.s32 $0x30, s4;
	v2 =	vld [tilespmem:s6+$0x0];
	v6 =	vnsel vm1, $0x0, v4;
	[tilespmem:s3+$0x0] =	vst v5  }
0x43: {  	s8 =	sadd.s32 $0x10, s4;
	v5 =	vor.u32 s7, v0;
	v4 =	vld [tilespmem:s6+$0xFFFFFFE0];
	[tilespmem:s3+$0xFFFFFFE0] =	vst v6  }
0x44: {  	s7 =	sadd.s32 $0x20, s4;
	v6 =	vor.u32 s8, v0;
	vm1 =	vlt.s32 v5, v1  }
0x45: {  	v5 =	vor.u32 s7, v0;
	s6 =	sadd.s32 $0x40, s6;
	s3 =	sadd.s32 $0x40, s3;
	vm0 =	vlt.s32 v6, v1;
	v6 =	vnsel vm1, $0x0, v7  }
.Ltmp3:
0x46: {  	(pc) =	sbr.rel .LBB2_11-.Ltmp3, $4  }
0x47: {  	v0 =	vor.u32 s4, v0;
	v3 =	vnsel vm0, $0x0, v3;
	vm15 =	vlt.s32 v5, v1;
	[tilespmem:s3+$0x10] =	vst v6  }
0x48: {  	vm1 =	vlt.s32 v0, v1;
	[tilespmem:s3+$0xFFFFFFF0] =	vst v3;
	v63 =	vnsel vm15, $0x0, v2  }
0x49: {  	v1 =	vnsel vm1, $0x0, v4;
	[tilespmem:s3+$0x0] =	vst v63  }
0x4a: {  	[tilespmem:s3+$0xFFFFFFE0] =	vst v1  }
.LBB2_6:
0x4b: {  	s3 =	sshll.u32 s1, $0xD  }
0x4c: {  	s31 =	simm.s32 $0x0;
	s3 =	sadd.s32 s4, s3  }
0x4d: {  	[tilespmem:s31], [sflag:$0x1] =	stream.linear.gather [hbm4b:s3+s31], $0x10000, $0x38;
	[tilespmem:$0x10680] =	vst v63  }
0x4e: {  	v0 =	vimm.f32 $0.0e+00;
	s3 =	simm.s32 $0x104A0  }
0x4f: {  	[tilespmem:s3+$0xFFFFFFE0] =	vst v0  }
0x50: {  	[tilespmem:s3+$0x10] =	vst v0  }
0x51: {  	s4 =	simm.s32 $0x0;
	[tilespmem:s3+$0x0] =	vst v0  }
.LBB2_7:
0x52: {  	s4 =	sadd.s32 $0x40, s4  }
0x53: {  	[tilespmem:s3+$0xFFFFFFF0] =	vst v0;
	s3 =	sadd.s32 $0x40, s3;
	p0 =	slt.u32 s4, $0x1C0  }
.Ltmp4:
0x54: {  	[tilespmem:s3+$0xFFFFFFE0] =	vst v0;
	(pc) =	sbr.rel @p0 .LBB2_7-.Ltmp4, $3  }
0x55: {  	_ =	sdelay $0x1  }
0x56: {  	[tilespmem:s3+$0x10] =	vst v0  }
0x57: {  	[tilespmem:s3+$0x0] =	vst v0  }
0x58: {  	[tilespmem:s3+$0xFFFFFFF0] =	vst v0;
	s24 =	simm.s32 $0x2;
	v0 =	vlaneseq.u32;
	s4 =	simm.s32 $0x10  }
0x59: {  	_ =	swait.ge [sflag:s24], $0x200;
	v2 =	vor.u32 s4, v0  }
0x5a: {  	[sflag:s24] =	ssyncset.done $0x0;
	v3 =	vshll.u32 v2, $0x7  }
0x5b: {  	s25 =	simm.s32 $0x1;
	[sflag:s24] =	ssyncadd.s32 $0xFFFFFE00;
	v4 =	vor.u32 $0x1, v3  }
0x5c: {  	_ =	swait.ge [sflag:s25], $0x10000  }
0x5d: {  	[sflag:s25] =	ssyncset.done $0x0  }
0x5e: {  	s3 =	simm.s32 $0x0;
	[sflag:s25] =	ssyncadd.s32 $0xFFFF0000  }
0x5f: {  	v5 =	vor.u32 $0x2, v3;
	v7 =	vld.idx.msk [tilespmem:v3+s3+$0x0], $0xffff  }
0x60: {  	v6 =	vor.u32 $0x3, v3;
	v4 =	vld.idx.msk [tilespmem:v4+s3+$0x0], $0xffff  }
0x61: {  	v8 =	vor.u32 $0x4, v3  }
0x62: {  	v10 =	vor.u32 $0x5, v3;
	_ =	sdelay $0x1  }
0x63: {  	v11 =	vor.u32 $0x6, v3;
	v5 =	vld.idx.msk [tilespmem:v5+s3+$0x0], $0xffff;
	v7 =	vmul.f32 $1.442695020e+00, v7  }
0x64: {  	v6 =	vld.idx.msk [tilespmem:v6+s3+$0x0], $0xffff;
	v4 =	vmul.f32 $1.442695020e+00, v4  }
0x65: {  	v8 =	vld.idx.msk [tilespmem:v8+s3+$0x0], $0xffff;
	(erf) = vpow2.f32 v7  }
0x66: {  	s26 =	simm.s32 $0x10210;
	(erf) = vpow2.f32 v4;
	v4 =	vld.idx.msk [tilespmem:v10+s3+$0x0], $0xffff  }
0x67: {  	v10 =	vld [tilespmem:s26+$0x0]  }
0x68: {  	v5 =	vmul.f32 $1.442695020e+00, v5;
	v7 =	vld.idx.msk [tilespmem:v11+s3+$0x0], $0xffff  }
0x69: {  	v1 =	vbroadcast v1, $0xF  }
0x6a: {  	v9 =	vld [tilespmem:s26+$0xFFFFFFF0];
	v3 =	vor.u32 $0x7, v3;
	(erf) = vpow2.f32 v5;
	v5 =	vmul.f32 $1.442695020e+00, v6  }
0x6b: {  	vm0 =	vlt.s32 v2, v1;
	v8 =	vmul.f32 $1.442695020e+00, v8  }
0x6c: {  	(erf) = vpow2.f32 v5;
	v4 =	vmul.f32 $1.442695020e+00, v4;
	v2 =	vnsel vm0, $0x0, v10  }
0x6d: {  	v5 =	vmul.f32 $1.442695020e+00, v7;
	v7 =	vimm.s32 $0x0;
	vm1 =	vgt.s32 v2, $0x1  }
0x6e: {  	v7 =	vsel vm1, $0xFFFFFFFF, v7  }
0x6f: {  	(xrf0) =	vadd.scan.msk.s32 $0xffff, v9;
	v3 =	vld.idx.msk [tilespmem:v3+s3+$0x0], $0xffff;
	(erf) = vpow2.f32 v8  }
0x70: {  	vm0 =	vgt.s32 v2, $0x0;
	(erf) = vpow2.f32 v4;
	v4 =	vpop (erf)  }
0x71: {  	[tilespmem:$0x1FF80] =	vst v7;
	v7 =	vpop (erf);
	(erf) = vpow2.f32 v5;
	v5 =	vnsel vm0, $0x0, v4  }
0x72: {  	v4 =	vimm.s32 $0x0;
	v11 =	vnsel vm1, $0x0, v7;
	vm1 =	vgt.s32 v2, $0x2  }
0x73: {  	v4 =	vsel vm1, $0xFFFFFFFF, v4  }
0x74: {  	v3 =	vmul.f32 $1.442695020e+00, v3  }
0x75: {  	v6, _, _ =	vpop (xrf0)  }
0x76: {  	v8 =	vadd.f32 v11, v5;
	[tilespmem:$0x1FF90] =	vst v4;
	v4 =	vpop (erf);
	(erf) = vpow2.f32 v3  }
0x77: {  	v3 =	vimm.s32 $0x0;
	v7 =	vnsel vm1, $0x0, v4;
	vm1 =	vgt.s32 v2, $0x3;
	v4 =	vpop (erf)  }
0x78: {  	(v2sf) =	vpush v6, $0xF;
	v3 =	vsel vm1, $0xFFFFFFFF, v3;
	v4 =	vnsel vm1, $0x0, v4  }
0x79: {  	vm1 =	vgt.s32 v2, $0x4;
	[tilespmem:$0x1FFA0] =	vst v3;
	v3 =	vadd.f32 v7, v8;
	v8 =	vimm.s32 $0x0  }
0x7a: {  	v8 =	vsel vm1, $0xFFFFFFFF, v8;
	_ =	sdelay $0x2  }
0x7b: {  	[tilespmem:$0x1FFB0] =	vst v8;
	v8 =	vpop (erf)  }
0x7c: {  	v14 =	vnsel vm1, $0x0, v8;
	vm1 =	vgt.s32 v2, $0x5;
	v8 =	vimm.s32 $0x0  }
0x7d: {  	v8 =	vsel vm1, $0xFFFFFFFF, v8  }
0x7e: {  	v3 =	vadd.f32 v4, v3  }
0x7f: {  	v20 =	vor.u32 s3, v0  }
0x80: {  	v12 =	vimm.s32 $0x0;
	v21 =	vshll.u32 v20, $0x7;
	v3 =	vadd.f32 v14, v3;
	[tilespmem:$0x1FFC0] =	vst v8;
	v8 =	vpop (erf)  }
0x81: {  	v15 =	vor.u32 $0x1, v21;
	(xrf0) =	vadd.scan.msk.s32 $0xffff, v10;
	v13 =	vnsel vm1, $0x0, v8;
	vm1 =	vgt.s32 v2, $0x6  }
0x82: {  	v16 =	vor.u32 $0x2, v21;
	v8 =	vpop (erf);
	v12 =	vsel vm1, $0xFFFFFFFF, v12;
	v3 =	vadd.f32 v13, v3  }
0x83: {  	[tilespmem:$0x1FFD0] =	vst v12;
	v12 =	vnsel vm1, $0x0, v8;
	vm1 =	vgt.s32 v2, $0x7;
	v2 =	vimm.s32 $0x0  }
0x84: {  	v18 =	vor.u32 $0x5, v21;
	v2 =	vsel vm1, $0xFFFFFFFF, v2  }
0x85: {  	v22 =	vor.u32 $0x3, v21;
	s28 =	spop (v2sf);
	[tilespmem:$0x1FFE0] =	vst v2  }
0x86: {  	s4 =	sadd.s32 $0x0, s28;
	v2 =	vadd.f32 v12, v3;
	v3 =	vpop (erf);
	v23 =	vld.idx.msk [tilespmem:v21+s3+$0x0], $0xffff  }
0x87: {  	s5 =	simm.s32 $0x30;
	v17, _, _ =	vpop (xrf0);
	v10 =	vsub.s32 s4, v10;
	v24 =	vld.idx.msk [tilespmem:v15+s3+$0x0], $0xffff;
	v8 =	vnsel vm1, $0x0, v3;
	v3 =	vor.u32 $0x6, v21  }
0x88: {  	v27 =	vor.u32 s5, v0;
	v15 =	vadd.s32 v17, v10;
	v10 =	vor.u32 $0x4, v21;
	v25 =	vld.idx.msk [tilespmem:v16+s3+$0x0], $0xffff  }
0x89: {  	s30 =	simm.s32 $0x20;
	v29 =	vshll.u32 v27, $0x7;
	v26 =	vld.idx.msk [tilespmem:v18+s3+$0x0], $0xffff;
	v2 =	vadd.f32 v8, v2  }
0x8a: {  	s6 =	simm.s32 $0x10230;
	v54 =	vor.u32 s30, v0;
	v31 =	vor.u32 $0x2, v29;
	v32 =	vor.u32 $0x3, v29;
	v22 =	vld.idx.msk [tilespmem:v22+s3+$0x0], $0xffff  }
0x8b: {  	v33 =	vor.u32 $0x7, v29;
	v34 =	vor.u32 $0x4, v29;
	(erf) = vrcp.f32 v2;
	v2 =	vld [tilespmem:s6+$0xFFFFFFF0]  }
0x8c: {  	vm1 =	vlt.s32 v20, v1;
	v20 =	vmul.f32 $1.442695020e+00, v23;
	v23 =	vor.u32 $0x7, v21;
	v3 =	vld.idx.msk [tilespmem:v3+s3+$0x0], $0xffff  }
0x8d: {  	v28 =	vnsel vm1, $0x0, v9;
	v24 =	vmul.f32 $1.442695020e+00, v24;
	v10 =	vld.idx.msk [tilespmem:v10+s3+$0x0], $0xffff;
	v21 =	vsub.s32 s3, v9  }
0x8e: {  	v9 =	vmul.f32 $1.442695020e+00, v25;
	v25 =	vor.u32 $0x1, v29;
	(erf) = vpow2.f32 v20  }
0x8f: {  	s29 =	simm.s32 $0x10010;
	(v2sf) =	vpush v17, $0xF;
	v26 =	vmul.f32 $1.442695020e+00, v26;
	(erf) = vpow2.f32 v24  }
0x90: {  	v17 =	vadd.s32 $0x1, v15;
	v22 =	vmul.f32 $1.442695020e+00, v22;
	v24 =	vld [tilespmem:s29+$0x0];
	(xrf0) =	vadd.scan.msk.s32 $0xffff, v2;
	(erf) = vpow2.f32 v9  }
0x91: {  	v16 =	vadd.s32 $0x2, v15;
	v9 =	vld.idx.msk [tilespmem:v23+s3+$0x0], $0xffff;
	(erf) = vpow2.f32 v26;
	v3 =	vmul.f32 $1.442695020e+00, v3  }
0x92: {  	vm1 =	vlt.s32 v27, v1;
	v27 =	vld.idx.msk [tilespmem:v29+s3+$0x0], $0xffff;
	v10 =	vmul.f32 $1.442695020e+00, v10;
	(erf) = vpow2.f32 v22  }
0x93: {  	v19 =	vadd.s32 $0x3, v15;
	v18 =	vadd.s32 $0x4, v15;
	v25 =	vld.idx.msk [tilespmem:v25+s3+$0x0], $0xffff;
	(erf) = vpow2.f32 v3  }
0x94: {  	vm10 =	vgt.s32 v28, $0x0;
	vm14 =	vgt.s32 v28, $0x1;
	v22 =	vpop (erf);
	(erf) = vpow2.f32 v10;
	v10 =	vld.idx.msk [tilespmem:v31+s3+$0x0], $0xffff  }
0x95: {  	vm15 =	vgt.s32 v28, $0x2;
	vm8 =	vgt.s32 v28, $0x3;
	v24 =	vmul.f32 v22, v24  }
0x96: {  	vm9 =	vgt.s32 v28, $0x4;
	vm13 =	vgt.s32 v28, $0x5;
	v3, _, _ =	vpop (xrf0);
	v9 =	vmul.f32 $1.442695020e+00, v9  }
0x97: {  	v33 =	vld.idx.msk [tilespmem:v33+s3+$0x0], $0xffff;
	v26 =	vor.u32 $0x5, v29;
	v31 =	vmul.f32 v24, v5;
	v5 =	vpop (erf);
	(v2sf) =	vpush v3, $0xF  }
0x98: {  	v27 =	vmul.f32 $1.442695020e+00, v27;
	v29 =	vor.u32 $0x6, v29;
	v25 =	vmul.f32 $1.442695020e+00, v25;
	v35 =	vpop (erf)  }
0x99: {  	v32 =	vld.idx.msk [tilespmem:v32+s3+$0x0], $0xffff;
	v36 =	vnsel vm10, $0x0, v5;
	v35 =	vnsel vm14, $0x0, v35;
	v10 =	vmul.f32 $1.442695020e+00, v10  }
0x9a: {  	v30 =	vld [tilespmem:s6+$0x0];
	vm11 =	vgt.s32 v28, $0x6;
	(erf) = vpow2.f32 v9;
	v9 =	vpop (erf);
	v51 =	vadd.f32 v35, v36  }
0x9b: {  	vm12 =	vgt.s32 v28, $0x7;
	v5 =	vld.idx.msk [tilespmem:v34+s3+$0x0], $0xffff;
	(erf) = vpow2.f32 v27;
	v27 =	vnsel vm15, $0x0, v9;
	v9 =	vpop (erf)  }
0x9c: {  	v28 =	vmul.f32 $1.442695020e+00, v33;
	v26 =	vld.idx.msk [tilespmem:v26+s3+$0x0], $0xffff;
	(erf) = vpow2.f32 v25;
	v25 =	vpop (erf);
	v34 =	vadd.f32 v27, v51  }
0x9d: {  	v20 =	vadd.s32 $0x7, v15;
	(erf) = vpow2.f32 v10;
	v25 =	vnsel vm8, $0x0, v25;
	v10 =	vpop (erf)  }
0x9e: {  	v29 =	vld.idx.msk [tilespmem:v29+s3+$0x0], $0xffff;
	v37 =	vmul.f32 v24, v11;
	v11 =	vmul.f32 $1.442695020e+00, v32;
	v52 =	vadd.f32 v25, v34;
	v53 =	vpop (erf)  }
0x9f: {  	v23 =	vadd.s32 $0x6, v15;
	v22 =	vnsel vm1, $0x0, v30;
	v38 =	vnsel vm9, $0x0, v53  }
0xa0: {  	v5 =	vmul.f32 $1.442695020e+00, v5;
	(erf) = vpow2.f32 v11;
	v11 =	vadd.f32 v38, v52  }
0xa1: {  	vm1 =	vlt.s32 v54, v1;
	v26 =	vmul.f32 $1.442695020e+00, v26;
	v39 =	vnsel vm13, $0x0, v9  }
0xa2: {  	vm7 =	vgt.s32 v22, $0x0;
	(erf) = vpow2.f32 v5;
	v9 =	vadd.f32 v39, v11  }
0xa3: {  	(xrf0) =	vadd.scan.msk.s32 $0xffff, v30;
	v29 =	vmul.f32 $1.442695020e+00, v29;
	(erf) = vpow2.f32 v26;
	v26 =	vnsel vm11, $0x0, v10;
	v10 =	vpop (erf)  }
0xa4: {  	vm5 =	vgt.s32 v22, $0x1;
	v56 =	vmul.f32 v24, v14;
	v9 =	vadd.f32 v26, v9;
	v11 =	vpop (erf)  }
0xa5: {  	s31 =	spop (v2sf);
	v5 =	vnsel vm1, $0x0, v2;
	(erf) = vpow2.f32 v29;
	v40 =	vnsel vm12, $0x0, v10;
	v10 =	vpop (erf)  }
0xa6: {  	s9 =	sadd.s32 s4, s31;
	v11 =	vnsel vm7, $0x0, v11;
	s7 =	spop (v2sf);
	v29 =	vadd.f32 v40, v9;
	v9 =	vnsel vm5, $0x0, v10  }
0xa7: {  	vm1 =	vgt.s32 v22, $0x2;
	(erf) = vpow2.f32 v28;
	v10 =	vpop (erf);
	s6 =	sadd.s32 s9, s7;
	v28 =	vadd.f32 v9, v11  }
0xa8: {  	s4 =	simm.s32 $0x10480;
	v43 =	vmul.f32 v24, v12;
	v10 =	vnsel vm1, $0x0, v10;
	v12 =	vsub.s32 s6, v30  }
0xa9: {  	[tilespmem:v15+s4+$0x0] =	vst.idx.msk vm0, v31;
	(erf) = vrcp.f32 v29;
	v14 =	vadd.f32 v10, v28;
	v28 =	vmul.f32 v24, v4;
	v4, _, _ =	vpop (xrf0)  }
0xaa: {  	v29 =	vadd.s32 $0x5, v15;
	(v2sf) =	vpush v4, $0xF;
	v15 =	vadd.s32 v4, v12;
	v4 =	vld [tilespmem:$0x1FF80];
	_ =	sdelay $0x4  }
0xab: {  	vm3 =	vnez.u8 v4;
	_ =	sdelay $0x3  }
0xac: {  	vm4 =	vgt.s32 v22, $0x3;
	v55 =	vmul.f32 v24, v7;
	v7 =	vpop (erf)  }
0xad: {  	vm6 =	vgt.s32 v22, $0x4;
	v41 =	vmul.f32 v24, v13;
	v7 =	vnsel vm4, $0x0, v7;
	v13 =	vpop (erf)  }
0xae: {  	vm0 =	vgt.s32 v22, $0x5;
	v42 =	vadd.f32 v7, v14;
	v14 =	vnsel vm6, $0x0, v13;
	v13 =	vpop (erf);
	[tilespmem:v17+s4+$0x0] =	vst.idx.msk vm3, v37  }
0xaf: {  	v4 =	vnsel vm0, $0x0, v13;
	v13 =	vld [tilespmem:$0x1FF90];
	_ =	sdelay $0x4  }
0xb0: {  	vm3 =	vnez.u8 v13;
	_ =	sdelay $0x4  }
0xb1: {  	v12 =	vadd.f32 v14, v42  }
0xb2: {  	[tilespmem:v16+s4+$0x0] =	vst.idx.msk vm3, v55  }
0xb3: {  	v8 =	vmul.f32 v24, v8;
	v24 =	vadd.f32 v4, v12;
	v12 =	vld [tilespmem:$0x1FFA0];
	_ =	sdelay $0x4  }
0xb4: {  	vm3 =	vnez.u8 v12;
	_ =	sdelay $0x5  }
0xb5: {  	[tilespmem:v19+s4+$0x0] =	vst.idx.msk vm3, v28  }
0xb6: {  	v19 =	vld [tilespmem:$0x1FFB0];
	_ =	sdelay $0x4  }
0xb7: {  	vm3 =	vnez.u8 v19;
	_ =	sdelay $0x1  }
0xb8: {  	v30 =	vld [tilespmem:s29+$0xFFFFFFF0];
	_ =	sdelay $0x1  }
0xb9: {  	v31 =	vpop (erf)  }
0xba: {  	v57 =	vpop (erf)  }
0xbb: {  	v28 =	vadd.s32 v6, v21;
	v6 =	vpop (erf);
	[tilespmem:v18+s4+$0x0] =	vst.idx.msk vm3, v56  }
0xbc: {  	v59 =	vmul.f32 v6, v30;
	v6 =	vld [tilespmem:$0x1FFC0];
	_ =	sdelay $0x4  }
0xbd: {  	vm2 =	vnez.u8 v6;
	_ =	sdelay $0x5  }
0xbe: {  	[tilespmem:v29+s4+$0x0] =	vst.idx.msk vm2, v41  }
0xbf: {  	v21 =	vld [tilespmem:$0x1FFD0];
	_ =	sdelay $0x4  }
0xc0: {  	vm2 =	vnez.u8 v21;
	_ =	sdelay $0x5  }
0xc1: {  	[tilespmem:v23+s4+$0x0] =	vst.idx.msk vm2, v43  }
0xc2: {  	v29 =	vld [tilespmem:$0x1FFE0];
	_ =	sdelay $0x4  }
0xc3: {  	vm2 =	vnez.u8 v29;
	_ =	sdelay $0x1  }
0xc4: {  	v58 =	vshll.u32 v54, $0x7  }
0xc5: {  	v60 =	vor.u32 $0x2, v58;
	v61 =	vor.u32 $0x5, v58  }
0xc6: {  	v32 =	vor.u32 $0x3, v58;
	v17 =	vadd.s32 $0x1, v15;
	v30 =	vor.u32 $0x1, v58  }
0xc7: {  	v19 =	vadd.s32 $0x1, v28;
	v18 =	vor.u32 $0x7, v58;
	v21 =	vmul.f32 v59, v36  }
0xc8: {  	vm3 =	vgt.s32 v22, $0x6;
	[tilespmem:v20+s4+$0x0] =	vst.idx.msk vm2, v8;
	vm2 =	vgt.s32 v22, $0x7;
	v8 =	vimm.s32 $0x0  }
0xc9: {  	s5 =	simm.s32 $0x10030;
	v37 =	vor.u32 $0x4, v58;
	v6 =	vnsel vm3, $0x0, v31;
	[tilespmem:v28+s4+$0x0] =	vst.idx.msk vm10, v21;
	v8 =	vsel vm2, $0xFFFFFFFF, v8  }
0xca: {  	v13 =	vadd.s32 $0x3, v15;
	v23 =	vadd.s32 $0x2, v28;
	v22 =	vadd.f32 v6, v24;
	v20 =	vld [tilespmem:s5+$0x0];
	[tilespmem:$0x1FFF0] =	vst v8  }
0xcb: {  	v62 =	vmul.f32 v59, v35;
	v24 =	vor.u32 $0x6, v58;
	v8 =	vnsel vm2, $0x0, v57;
	v31 =	vld.idx.msk [tilespmem:v58+s3+$0x0], $0xffff  }
0xcc: {  	v16 =	vadd.s32 $0x2, v15;
	v21 =	vadd.s32 $0x7, v28;
	v63 =	vadd.f32 v8, v22;
	v29 =	vld.idx.msk [tilespmem:v18+s3+$0x0], $0xffff  }
0xcd: {  	v18 =	vmul.f32 v59, v27;
	[tilespmem:v19+s4+$0x0] =	vst.idx.msk vm14, v62;
	v19 =	vadd.s32 $0x3, v28;
	v22 =	vadd.s32 $0x4, v28;
	v33 =	vld.idx.msk [tilespmem:v30+s3+$0x0], $0xffff  }
0xce: {  	v27 =	vadd.s32 $0x6, v28;
	v34 =	vld.idx.msk [tilespmem:v60+s3+$0x0], $0xffff;
	v30 =	vmul.f32 v59, v25;
	v25 =	vmul.f32 v59, v39  }
0xcf: {  	v36 =	vld.idx.msk [tilespmem:v61+s3+$0x0], $0xffff;
	[tilespmem:v23+s4+$0x0] =	vst.idx.msk vm15, v18;
	(erf) = vrcp.f32 v63;
	v23 =	vadd.s32 $0x5, v28;
	v28 =	vmul.f32 v59, v38  }
0xd0: {  	s8 =	simm.s32 $0x10250;
	s7 =	simm.s32 $0x40;
	s11 =	spop (v2sf);
	v12 =	vadd.s32 $0x4, v15;
	v35 =	vld.idx.msk [tilespmem:v24+s3+$0x0], $0xffff;
	v24 =	vmul.f32 v59, v26;
	v26 =	vmul.f32 v59, v40  }
.LBB2_9:
0xd1: {  	_ = 	snop  }
0xd2: {  	v32 =	vld.idx.msk [tilespmem:v32+s3+$0x0], $0xffff;
	[tilespmem:v19+s4+$0x0] =	vst.idx.msk vm8, v30  }
0xd3: {  	v18 =	vsub.s32 s9, v2;
	v2 =	vld [tilespmem:s8+$0xFFFFFFF0];
	_ =	sdelay $0x3  }
0xd4: {  	vm2 =	vgt.s32 v5, $0x0;
	[tilespmem:v22+s4+$0x0] =	vst.idx.msk vm9, v28  }
0xd5: {  	s12 =	sadd.s32 $0x10, s7;
	v59 =	vadd.s32 $0x5, v15;
	vm15 =	vgt.s32 v5, $0x1;
	v37 =	vld.idx.msk [tilespmem:v37+s3+$0x0], $0xffff;
	[tilespmem:v23+s4+$0x0] =	vst.idx.msk vm13, v25;
	(xrf0) =	vadd.scan.msk.s32 $0xffff, v2  }
0xd6: {  	vm14 =	vgt.s32 v5, $0x2;
	v30 =	vor.u32 s12, v0;
	v31 =	vmul.f32 $1.442695020e+00, v31;
	[tilespmem:v27+s4+$0x0] =	vst.idx.msk vm11, v24;
	v27 =	vpop (erf)  }
0xd7: {  	vm8 =	vlt.s32 v30, v1;
	v27 =	vmul.f32 v27, v20;
	v20 =	vimm.s32 $0x0  }
0xd8: {  	v30 =	vshll.u32 v30, $0x7;
	v28 =	vmul.f32 $1.442695020e+00, v33;
	v20 =	vsel vm2, $0xFFFFFFFF, v20  }
0xd9: {  	vm10 =	vgt.s32 v5, $0x3;
	v23 =	vor.u32 $0x1, v30;
	(erf) = vpow2.f32 v31  }
0xda: {  	v53 =	vmul.f32 $1.442695020e+00, v34;
	v25 =	vor.u32 $0x5, v30;
	[tilespmem:v21+s4+$0x0] =	vst.idx.msk vm12, v26;
	(erf) = vpow2.f32 v28  }
0xdb: {  	v29 =	vmul.f32 $1.442695020e+00, v29;
	v24 =	vor.u32 $0x2, v30;
	v26 =	vor.u32 $0x3, v30;
	[tilespmem:$0x1FF70] =	vst v20;
	v20, _, _ =	vpop (xrf0)  }
0xdc: {  	v22 =	vld [tilespmem:s8+$0x0];
	v21 =	vmul.f32 $1.442695020e+00, v36;
	(erf) = vpow2.f32 v53;
	(v2sf) =	vpush v20, $0xF  }
0xdd: {  	v54 =	vmul.f32 $1.442695020e+00, v35;
	v56 =	vor.u32 $0x4, v30;
	v32 =	vmul.f32 $1.442695020e+00, v32;
	v55 =	vld.idx.msk [tilespmem:v30+s3+$0x0], $0xffff  }
0xde: {  	v19 =	vadd.s32 $0x7, v15;
	v23 =	vld.idx.msk [tilespmem:v23+s3+$0x0], $0xffff;
	v57 =	vmul.f32 $1.442695020e+00, v37;
	(erf) = vpow2.f32 v21  }
0xdf: {  	v31 =	vor.u32 $0x7, v30;
	v58 =	vld.idx.msk [tilespmem:v25+s3+$0x0], $0xffff;
	(erf) = vpow2.f32 v32;
	v11 =	vmul.f32 v27, v11  }
0xe0: {  	vm9 =	vgt.s32 v5, $0x4;
	v24 =	vld.idx.msk [tilespmem:v24+s3+$0x0], $0xffff;
	(erf) = vpow2.f32 v54;
	v9 =	vmul.f32 v27, v9  }
0xe1: {  	vm13 =	vgt.s32 v5, $0x5;
	v30 =	vor.u32 $0x6, v30;
	v26 =	vld.idx.msk [tilespmem:v26+s3+$0x0], $0xffff;
	(erf) = vpow2.f32 v57;
	[tilespmem:v15+s4+$0x0] =	vst.idx.msk vm7, v11  }
0xe2: {  	v25 =	vmul.f32 v27, v10;
	v11 =	vld.idx.msk [tilespmem:v56+s3+$0x0], $0xffff;
	[tilespmem:v17+s4+$0x0] =	vst.idx.msk vm5, v9;
	v9 =	vmul.f32 v27, v14;
	v14 =	vpop (erf)  }
0xe3: {  	vm11 =	vgt.s32 v5, $0x6;
	v33 =	vmul.f32 $1.442695020e+00, v55;
	v10 =	vpop (erf);
	(erf) = vpow2.f32 v29  }
0xe4: {  	v28 =	vadd.s32 $0x6, v15;
	v17 =	vld.idx.msk [tilespmem:v31+s3+$0x0], $0xffff;
	v31 =	vmul.f32 $1.442695020e+00, v23;
	v23 =	vnsel vm2, $0x0, v14  }
0xe5: {  	[tilespmem:v16+s4+$0x0] =	vst.idx.msk vm1, v25;
	v29 =	vmul.f32 $1.442695020e+00, v24;
	(erf) = vpow2.f32 v33;
	v25 =	vnsel vm15, $0x0, v10;
	v10 =	vpop (erf)  }
0xe6: {  	(erf) = vpow2.f32 v31;
	v24 =	vnsel vm14, $0x0, v10;
	v10 =	vadd.f32 v25, v23  }
0xe7: {  	vm12 =	vgt.s32 v5, $0x7;
	(xrf0) =	vadd.scan.msk.s32 $0xffff, v22;
	v14 =	vld.idx.msk [tilespmem:v30+s3+$0x0], $0xffff;
	v30 =	vmul.f32 v27, v7;
	v15 =	vpop (erf);
	(erf) = vpow2.f32 v29  }
0xe8: {  	v29 =	vmul.f32 $1.442695020e+00, v26;
	v16 =	vpop (erf);
	v11 =	vmul.f32 $1.442695020e+00, v11;
	v10 =	vadd.f32 v24, v10  }
0xe9: {  	[tilespmem:v13+s4+$0x0] =	vst.idx.msk vm4, v30;
	v61 =	vnsel vm13, $0x0, v15;
	v15 =	vmul.f32 v27, v4;
	v26 =	vnsel vm10, $0x0, v16;
	v7 =	vpop (erf)  }
0xea: {  	[tilespmem:v12+s4+$0x0] =	vst.idx.msk vm6, v9;
	v16 =	vmul.f32 $1.442695020e+00, v58;
	(erf) = vpow2.f32 v29;
	v9 =	vpop (erf);
	v10 =	vadd.f32 v26, v10  }
0xeb: {  	s9 =	sadd.s32 s6, s11;
	v6 =	vmul.f32 v27, v6;
	(erf) = vpow2.f32 v11;
	v60 =	vnsel vm9, $0x0, v9;
	s31 =	spop (v2sf)  }
0xec: {  	v14 =	vmul.f32 $1.442695020e+00, v14;
	[tilespmem:v59+s4+$0x0] =	vst.idx.msk vm0, v15;
	(erf) = vpow2.f32 v16;
	v16 =	vadd.f32 v60, v10;
	v12 =	vpop (erf);
	s6 =	sadd.s32 s9, s31  }
0xed: {  	v21 =	vnsel vm8, $0x0, v22;
	[tilespmem:v28+s4+$0x0] =	vst.idx.msk vm3, v6;
	v39 =	vnsel vm12, $0x0, v12;
	v12, _, _ =	vpop (xrf0);
	v6 =	vsub.s32 s6, v22  }
0xee: {  	(erf) = vpow2.f32 v14;
	v10 =	vpop (erf);
	v14 =	vadd.f32 v61, v16;
	v15 =	vadd.s32 v12, v6;
	v6 =	vld [tilespmem:$0x1FFF0]  }
0xef: {  	vm8 =	vgt.s32 v21, $0x0;
	vm7 =	vgt.s32 v21, $0x1;
	v38 =	vnsel vm11, $0x0, v7;
	v9 =	vpop (erf)  }
0xf0: {  	v11 =	vnsel vm8, $0x0, v10;
	v9 =	vnsel vm7, $0x0, v9;
	v5 =	vadd.f32 v38, v14  }
0xf1: {  	vm2 =	vgt.s32 v21, $0x2;
	v13 =	vmul.f32 $1.442695020e+00, v17;
	v7 =	vpop (erf);
	v16 =	vadd.f32 v9, v11  }
0xf2: {  	vm5 =	vgt.s32 v21, $0x3;
	v10 =	vnsel vm2, $0x0, v7;
	v5 =	vadd.f32 v39, v5  }
0xf3: {  	(erf) = vpow2.f32 v13;
	v7 =	vpop (erf);
	v13 =	vadd.f32 v10, v16;
	vm0 =	vnez.u8 v6  }
0xf4: {  	v7 =	vnsel vm5, $0x0, v7;
	v14 =	vpop (erf);
	(erf) = vrcp.f32 v5  }
0xf5: {  	vm6 =	vgt.s32 v21, $0x4;
	v5 =	vadd.f32 v7, v13  }
0xf6: {  	v14 =	vnsel vm6, $0x0, v14  }
0xf7: {  	v8 =	vmul.f32 v27, v8;
	vm1 =	vgt.s32 v21, $0x5;
	v4 =	vpop (erf);
	v5 =	vadd.f32 v14, v5  }
0xf8: {  	v4 =	vnsel vm1, $0x0, v4  }
0xf9: {  	v27 =	vadd.f32 v4, v5;
	[tilespmem:v19+s4+$0x0] =	vst.idx.msk vm0, v8;
	v19 =	vld [tilespmem:s5+$0xFFFFFFF0];
	_ =	sdelay $0x1  }
0xfa: {  	vm4 =	vgt.s32 v21, $0x6;
	v22 =	vpop (erf)  }
0xfb: {  	v6 =	vnsel vm4, $0x0, v22;
	v5 =	vpop (erf)  }
0xfc: {  	v18 =	vadd.s32 v3, v18;
	v22 =	vadd.f32 v6, v27;
	v27 =	vpop (erf)  }
0xfd: {  	v40 =	vadd.s32 $0x2, v18;
	(v2sf) =	vpush v12, $0xF;
	v45 =	vmul.f32 v27, v19  }
0xfe: {  	v41 =	vadd.s32 $0x1, v18;
	vm3 =	vgt.s32 v21, $0x7;
	v21 =	vadd.s32 $0x7, v18  }
0xff: {  	s10 =	smov.u32 s7;
	v17 =	vadd.s32 $0x1, v15;
	v16 =	vadd.s32 $0x2, v15;
	v63 =	vmul.f32 v45, v24;
	v24 =	vld [tilespmem:$0x1FF70]  }
0x100: {  	v13 =	vadd.s32 $0x3, v15;
	v12 =	vadd.s32 $0x4, v15;
	v8 =	vor.u32 s10, v0  }
0x101: {  	vm0 =	vlt.s32 v8, v1;
	v28 =	vshll.u32 v8, $0x7;
	v8 =	vimm.s32 $0x0  }
0x102: {  	v30 =	vor.u32 $0x1, v28;
	v29 =	vor.u32 $0x7, v28;
	v8 =	vsel vm3, $0xFFFFFFFF, v8  }
0x103: {  	v32 =	vor.u32 $0x3, v28;
	[tilespmem:$0x1FFF0] =	vst v8;
	v8 =	vnsel vm3, $0x0, v5;
	v5 =	vnsel vm0, $0x0, v2  }
0x104: {  	vm0 =	vmmov vm1;
	vm1 =	vmmov vm2;
	vm2 =	vnez.u8 v24  }
0x105: {  	s5 =	sadd.s32 $0x20, s5;
	v62 =	vor.u32 $0x2, v28;
	v42 =	vor.u32 $0x5, v28;
	v43 =	vor.u32 $0x6, v28  }
0x106: {  	v3 =	vmovc v20;
	v20 =	vld [tilespmem:s5+$0x0];
	v37 =	vor.u32 $0x4, v28;
	vm3 =	vmmov vm4;
	vm4 =	vmmov vm5  }
0x107: {  	p0 =	slt.u32 s7, $0x1E0;
	vm5 =	vmmov vm7;
	vm7 =	vmmov vm8;
	vm8 =	vmmov vm10;
	v31 =	vld.idx.msk [tilespmem:v28+s3+$0x0], $0xffff  }
.Ltmp5:
0x108: {  	v44 =	vadd.f32 v8, v22;
	v22 =	vadd.s32 $0x4, v18;
	v29 =	vld.idx.msk [tilespmem:v29+s3+$0x0], $0xffff;
	v46 =	vmul.f32 v45, v23;
	(pc) =	sbr.rel @p0 .LBB2_9-.Ltmp5, $4  }
0x109: {  	v19 =	vadd.s32 $0x3, v18;
	v27 =	vadd.s32 $0x6, v18;
	v25 =	vmul.f32 v45, v25;
	v33 =	vld.idx.msk [tilespmem:v30+s3+$0x0], $0xffff  }
0x10a: {  	(erf) = vrcp.f32 v44;
	v23 =	vadd.s32 $0x5, v18;
	v34 =	vld.idx.msk [tilespmem:v62+s3+$0x0], $0xffff;
	v30 =	vmul.f32 v45, v26;
	[tilespmem:v18+s4+$0x0] =	vst.idx.msk vm2, v46  }
0x10b: {  	v28 =	vmul.f32 v45, v60;
	v26 =	vmul.f32 v45, v39;
	v35 =	vld.idx.msk [tilespmem:v43+s3+$0x0], $0xffff;
	[tilespmem:v41+s4+$0x0] =	vst.idx.msk vm15, v25  }
0x10c: {  	s7 =	sadd.s32 $0x20, s7;
	s8 =	sadd.s32 $0x20, s8;
	s11 =	spop (v2sf);
	v24 =	vmul.f32 v45, v38;
	v25 =	vmul.f32 v45, v61;
	v36 =	vld.idx.msk [tilespmem:v42+s3+$0x0], $0xffff;
	[tilespmem:v40+s4+$0x0] =	vst.idx.msk vm14, v63  }
0x10d: {  	v1 =	vmul.f32 $1.442695020e+00, v31  }
0x10e: {  	v18 =	vmul.f32 $1.442695020e+00, v33  }
0x10f: {  	(erf) = vpow2.f32 v1;
	v48 =	vmul.f32 $1.442695020e+00, v34  }
0x110: {  	(erf) = vpow2.f32 v18  }
0x111: {  	(erf) = vpow2.f32 v48;
	_ =	sdelay $0x1  }
0x112: {  	v0 =	vld.idx.msk [tilespmem:v32+s3+$0x0], $0xffff;
	_ =	sdelay $0x2  }
0x113: {  	vm2 =	vgt.s32 v5, $0x0;
	v54 =	vimm.s32 $0x0  }
0x114: {  	vm15 =	vgt.s32 v5, $0x2;
	v56 =	vimm.s32 $0x0;
	v49 =	vmul.f32 $1.442695020e+00, v36;
	v52 =	vpop (erf)  }
0x115: {  	vm14 =	vgt.s32 v5, $0x3;
	v62 =	vimm.s32 $0x0;
	v0 =	vmul.f32 $1.442695020e+00, v0;
	v53 =	vpop (erf)  }
0x116: {  	v47 =	vld.idx.msk [tilespmem:v37+s3+$0x0], $0xffff;
	v41 =	vimm.s32 $0x0;
	v31 =	vsel vm15, $0xFFFFFFFF, v56;
	(erf) = vpow2.f32 v49;
	v55 =	vpop (erf)  }
0x117: {  	[tilespmem:$0x1FF40] =	vst v31;
	v34 =	vsel vm14, $0xFFFFFFFF, v62;
	v18 =	vsel vm2, $0xFFFFFFFF, v54;
	(erf) = vpow2.f32 v0;
	v57 =	vpop (erf)  }
0x118: {  	[tilespmem:$0x1FF50] =	vst v34;
	v0 =	vmul.f32 v52, v20;
	v59 =	vnsel vm15, $0x0, v57;
	vm15 =	vgt.s32 v5, $0x4  }
0x119: {  	[tilespmem:$0x1FF30] =	vst v18;
	v36 =	vsel vm15, $0xFFFFFFFF, v41  }
0x11a: {  	v50 =	vmul.f32 $1.442695020e+00, v35;
	v11 =	vmul.f32 v0, v11;
	[tilespmem:$0x1FF60] =	vst v36  }
0x11b: {  	v51 =	vmul.f32 $1.442695020e+00, v47;
	[tilespmem:v19+s4+$0x0] =	vst.idx.msk vm8, v30  }
0x11c: {  	(erf) = vpow2.f32 v50;
	v9 =	vmul.f32 v0, v9;
	[tilespmem:v15+s4+$0x0] =	vst.idx.msk vm7, v11  }
0x11d: {  	(erf) = vpow2.f32 v51;
	[tilespmem:v22+s4+$0x0] =	vst.idx.msk vm9, v28  }
0x11e: {  	v10 =	vmul.f32 v0, v10;
	[tilespmem:v17+s4+$0x0] =	vst.idx.msk vm5, v9  }
0x11f: {  	vm10 =	vgt.s32 v5, $0x1;
	[tilespmem:v23+s4+$0x0] =	vst.idx.msk vm13, v25  }
0x120: {  	v29 =	vmul.f32 $1.442695020e+00, v29;
	v44 =	vadd.s32 $0x5, v15;
	v7 =	vmul.f32 v0, v7;
	[tilespmem:v16+s4+$0x0] =	vst.idx.msk vm1, v10  }
0x121: {  	v45 =	vadd.s32 $0x6, v15;
	v1 =	vnsel vm2, $0x0, v53;
	v18 =	vnsel vm10, $0x0, v55;
	[tilespmem:v27+s4+$0x0] =	vst.idx.msk vm11, v24  }
0x122: {  	v14 =	vmul.f32 v0, v14;
	v58 =	vadd.f32 v18, v1;
	[tilespmem:v13+s4+$0x0] =	vst.idx.msk vm4, v7  }
0x123: {  	v4 =	vmul.f32 v0, v4;
	(erf) = vpow2.f32 v29;
	v60 =	vpop (erf);
	[tilespmem:v21+s4+$0x0] =	vst.idx.msk vm12, v26  }
0x124: {  	v6 =	vmul.f32 v0, v6;
	v61 =	vpop (erf);
	v32 =	vadd.f32 v59, v58;
	[tilespmem:v12+s4+$0x0] =	vst.idx.msk vm6, v14  }
0x125: {  	v33 =	vnsel vm14, $0x0, v61;
	v63 =	vpop (erf);
	[tilespmem:v44+s4+$0x0] =	vst.idx.msk vm0, v4  }
0x126: {  	v32 =	vadd.f32 v33, v32;
	v40 =	vpop (erf);
	[tilespmem:v45+s4+$0x0] =	vst.idx.msk vm3, v6  }
0x127: {  	v35 =	vnsel vm15, $0x0, v40;
	v51 =	vld [tilespmem:$0x1FFF0]  }
0x128: {  	vm15 =	vgt.s32 v5, $0x5;
	v32 =	vadd.f32 v35, v32  }
0x129: {  	v31 =	vnsel vm15, $0x0, v60  }
0x12a: {  	vm14 =	vgt.s32 v5, $0x6;
	v32 =	vadd.f32 v31, v32  }
0x12b: {  	v34 =	vnsel vm14, $0x0, v63  }
0x12c: {  	vm2 =	vgt.s32 v5, $0x7;
	v42 =	vpop (erf);
	v32 =	vadd.f32 v34, v32;
	vm8 =	vnez.u8 v51  }
0x12d: {  	v46 =	vadd.s32 $0x7, v15;
	v5 =	vnsel vm2, $0x0, v42  }
0x12e: {  	v32 =	vadd.f32 v5, v32;
	_ =	sdelay $0x1  }
0x12f: {  	v0 =	vmul.f32 v0, v8;
	(erf) = vrcp.f32 v32;
	_ =	sdelay $0x1  }
0x130: {  	[tilespmem:v46+s4+$0x0] =	vst.idx.msk vm8, v0  }
0x131: {  	v11 =	vld [tilespmem:$0x1FF30];
	_ =	sdelay $0x1  }
0x132: {  	v43 =	vld [tilespmem:s5+$0xFFFFFFF0];
	_ =	sdelay $0x2  }
0x133: {  	v2 =	vsub.s32 s9, v2;
	vm9 =	vnez.u8 v11  }
0x134: {  	v2 =	vadd.s32 v3, v2;
	v47 =	vpop (erf)  }
0x135: {  	v48 =	vadd.s32 $0x1, v2;
	v3 =	vmul.f32 v47, v43;
	_ =	sdelay $0x1  }
0x136: {  	v1 =	vmul.f32 v3, v1  }
0x137: {  	v53 =	vmul.f32 v3, v18  }
0x138: {  	[tilespmem:v2+s4+$0x0] =	vst.idx.msk vm9, v1  }
0x139: {  	[tilespmem:v48+s4+$0x0] =	vst.idx.msk vm10, v53  }
0x13a: {  	v8 =	vld [tilespmem:$0x1FF40];
	_ =	sdelay $0x4  }
0x13b: {  	vm11 =	vnez.u8 v8  }
0x13c: {  	v49 =	vadd.s32 $0x2, v2;
	_ =	sdelay $0x2  }
0x13d: {  	v55 =	vmul.f32 v3, v59;
	_ =	sdelay $0x1  }
0x13e: {  	[tilespmem:v49+s4+$0x0] =	vst.idx.msk vm11, v55  }
0x13f: {  	v60 =	vld [tilespmem:$0x1FF50];
	_ =	sdelay $0x4  }
0x140: {  	vm12 =	vnez.u8 v60  }
0x141: {  	v50 =	vadd.s32 $0x3, v2;
	_ =	sdelay $0x2  }
0x142: {  	v57 =	vmul.f32 v3, v33;
	_ =	sdelay $0x1  }
0x143: {  	[tilespmem:v50+s4+$0x0] =	vst.idx.msk vm12, v57  }
0x144: {  	v62 =	vld [tilespmem:$0x1FF60];
	_ =	sdelay $0x4  }
0x145: {  	vm13 =	vnez.u8 v62  }
0x146: {  	v52 =	vadd.s32 $0x4, v2  }
0x147: {  	v54 =	vadd.s32 $0x5, v2  }
0x148: {  	v56 =	vadd.s32 $0x6, v2  }
0x149: {  	v58 =	vmul.f32 v3, v35;
	v2 =	vadd.s32 $0x7, v2  }
0x14a: {  	v59 =	vmul.f32 v3, v31  }
0x14b: {  	v61 =	vmul.f32 v3, v34;
	[tilespmem:v52+s4+$0x0] =	vst.idx.msk vm13, v58  }
0x14c: {  	v63 =	vmul.f32 v3, v5;
	[tilespmem:v54+s4+$0x0] =	vst.idx.msk vm15, v59  }
0x14d: {  	[tilespmem:v56+s4+$0x0] =	vst.idx.msk vm14, v61  }
0x14e: {  	[tilespmem:v2+s4+$0x0] =	vst.idx.msk vm2, v63  }
.LBB2_11:
0x14f: {  	s3 =	simm.s32 $0x80  }
0x150: {  	s4 =	simm.s32 $0x400;
	s5 =	simm.s32 $0x10480;
	s31 =	simm.s32 $0x5  }
0x151: {  	[hbm4b:s2+s3] =	stream.strided.scatter [tilespmem:s5], [sflag:$0x5], $0x200, s4, s3, $0x38;
	[tilespmem:$0x10680] =	vst v63  }
0x152: {  	_ =	swait.ge [sflag:s31], $0x200  }
0x153: {  	[sflag:s31] =	ssyncset.done $0x0  }
0x154: {  	[sflag:s31] =	ssyncadd.s32 $0xFFFFFE00  }
0x155: {  	_ =	sfence.sel $0x180000  }
0x156: {  	[bflag:$0x0] =	sbarrier.arrive $0xFFFF  }
0x157: {  	p0 =	sne.s32 s1, $0x0;
	_ =	strace $0x90000047  }
0x158: {  	s0 =	sadd.s32 @!p0 $0x100000, s0;
	[bflag:$0x2] =	sbarrier.arrive $0xFFFF  }
0x159: {  	[sflag:s0] =	ssyncadd.tile.s32 @!p0 $0x1;
	_ =	shalt  }
.Lfunc_end2:
_tile_overlayer_lowered:
.L_overlay_start_2:
0x15a: {  	(tag) =	ssettag $0x2  }
0x15b: {  	s0 =	rddreg [dreg:$0x0];
	s2 =	stileid.u32  }
0x15c: {  	s1 =	rddreg [dreg:$0x1];
	p0 =	sne.s32 s2, $0x0  }
0x15d: {  	s3 =	rddreg [dreg:$0x2];
	[bflag:$0x3] =	sbarrier.arrive $0xFFFF;
	s2 =	simm.s32 @!p0 $0x1C05  }
0x15e: {  	[timem:s3], [sflag:s2] =	dma.local @!p0 [hbm:s0], s1  }
0x15f: {  	s0 =	simm.s32 @!p0 $0x5  }
0x160: {  	_ =	swait.ge @!p0 [sflag:s0], s1  }
0x161: {  	s1 =	ssub.s32 @!p0 $0x0, s1;
	[sflag:s0] =	ssyncset.done @!p0 $0x0  }
0x162: {  	[sflag:s0] =	ssyncadd.s32 @!p0 s1  }
0x163: {  	[bflag:$0x3] =	sbarrier.arrive $0xFFFF  }
0x164: {  	_ =	shalt  }

</sc_bundles>
